<compile_context>
chip_gen: v7x
topology: tpu7x:2x2x1
jax: 0.10.2.dev20260603
libtpu: 0.0.44.dev20260713+nightly
codegen_flags: <defaults>
</compile_context>

<pallas_src>
import jax
import jax.numpy as jnp
from jax import lax
from jax.experimental import pallas as pl
from jax.experimental.pallas import tpu as pltpu
from jax.experimental.pallas import tpu_sc as plsc

_N = 1048576
_B = 8192
_P = _N // _B
_NC = 2
_NS = 16
_W = _NC * _NS
_SW = _B // _W
_CS = 32
_NCH = _SW // _CS
_CPTS = _CS * _P


def _sc_body(px_hbm, py_hbm, sx_hbm, sy_hbm, my_hbm, xy_hbm, xc_hbm, out_hbm,
             buf0, buf1, out_v, sem0, sem1):
    c = lax.axis_index("c")
    s = lax.axis_index("s")
    wid = s * _NC + c
    pt0 = wid * (_SW * _P)
    sg0 = wid * _SW

    lane = lax.iota(jnp.int32, 16)
    srcs = (px_hbm, py_hbm, sx_hbm, sy_hbm, my_hbm, xy_hbm, xc_hbm)
    bufs = ((buf0, sem0), (buf1, sem1))

    def start(ch, b):
        bv, sem = bufs[b]
        p_off = pt0 + ch * _CPTS
        for a, src in enumerate(srcs):
            pltpu.async_copy(src.at[pl.ds(p_off, _CPTS)],
                             bv.at[pl.ds(a * _CPTS, _CPTS)], sem)

    def wait(b):
        bv, sem = bufs[b]
        for a, src in enumerate(srcs):
            pltpu.make_async_copy(src.at[pl.ds(0, _CPTS)],
                                  bv.at[pl.ds(a * _CPTS, _CPTS)], sem).wait()

    def compute(ch, b):
        bv, _sem = bufs[b]

        def seg_body(sg, flags_v):
            base = sg * _P
            acc = jnp.zeros((16,), jnp.int32)
            for j in range(_P // 16):
                off = base + j * 16
                p0 = bv[pl.ds(0 * _CPTS + off, 16)]
                p1 = bv[pl.ds(1 * _CPTS + off, 16)]
                s2x = bv[pl.ds(2 * _CPTS + off, 16)]
                s2y = bv[pl.ds(3 * _CPTS + off, 16)]
                my = bv[pl.ds(4 * _CPTS + off, 16)]
                xy = bv[pl.ds(5 * _CPTS + off, 16)]
                xc = bv[pl.ds(6 * _CPTS + off, 16)]
                y_ok = jnp.logical_and(p1 >= my, p1 < xy)
                x_ok = (s2x + (p1 - s2y) * xc) >= p0
                hit = jnp.logical_and(y_ok, x_ok)
                acc = acc + jnp.where(hit, jnp.int32(1), jnp.int32(0))
            tot = jnp.sum(acc)
            fl = jnp.where(tot == jnp.int32(1), jnp.int32(1), jnp.int32(0))
            flags_v = jnp.where(lane == (sg & 15), fl, flags_v)

            @pl.when((sg & 15) == 15)
            def _():
                out_v[pl.ds(ch * _CS + (sg & ~15), 16)] = flags_v
            return flags_v

        lax.fori_loop(0, _CS, seg_body, jnp.zeros((16,), jnp.int32))

    start(0, 0)
    start(1, 1)

    def outer(i, carry):
        for b in range(2):
            ch = i * 2 + b
            wait(b)
            compute(ch, b)

            @pl.when(ch + 2 < _NCH)
            def _():
                start(ch + 2, b)
        return carry

    lax.fori_loop(0, _NCH // 2, outer, jnp.int32(0))
    pltpu.sync_copy(out_v, out_hbm.at[pl.ds(sg0, _SW)])


@jax.jit
def _sc_flags(px, py, s2x, s2y, min_y, max_y, x_check):
    mesh = plsc.VectorSubcoreMesh(core_axis_name="c", subcore_axis_name="s")
    f = pl.kernel(
        _sc_body,
        mesh=mesh,
        out_type=jax.ShapeDtypeStruct((_B,), jnp.int32),
        scratch_types=[
            pltpu.VMEM((7 * _CPTS,), jnp.float32),
            pltpu.VMEM((7 * _CPTS,), jnp.float32),
            pltpu.VMEM((_SW,), jnp.int32),
            pltpu.SemaphoreType.DMA,
            pltpu.SemaphoreType.DMA,
        ],
        compiler_params=pltpu.CompilerParams(needs_layout_passes=False),
    )
    return f(px, py, s2x, s2y, min_y, max_y, x_check)


def kernel(points, s1, s2, vertices_range, vertices_indices,
           min_y_cache, max_y_cache, x_check_cache):
    flags = _sc_flags(points[:, 0], points[:, 1], s2[:, 0], s2[:, 1],
                      min_y_cache, max_y_cache, x_check_cache)
    return jnp.broadcast_to((flags != 0)[:, None], (_B, _P)).reshape(_N)

# --- scband reference (transcript-rebuilt; emitter-appended) ---
"""Pipeline reference for scband-sign-18202071400956 (READ-ONLY COPY).

The authoritative reference and input builder live on the scoring server;
editing this copy changes nothing except your own understanding.
"""

import jax, jax.numpy as jnp
import numpy as np

N = 1048576
B = 8192
P = N // B

def setup_inputs(seed: int = 0) -> dict:
    key = jax.random.key(seed)
    ks = jax.random.split(key, 6)
    points = jax.random.uniform(ks[0], (N, 2), dtype=jnp.float32)
    s1 = jax.random.uniform(ks[1], (N, 2), dtype=jnp.float32)
    s2 = jax.random.uniform(ks[2], (N, 2), dtype=jnp.float32)
    min_y_cache = jax.random.uniform(ks[3], (N,), dtype=jnp.float32)
    max_y_cache = min_y_cache + jax.random.uniform(ks[4], (N,), dtype=jnp.float32) * 0.5
    x_check_cache = jax.random.normal(ks[5], (N,), dtype=jnp.float32)
    b = jnp.arange(B + 1, dtype=jnp.int32) * P
    vertices_range = jnp.stack([b[:-1], b[1:]], axis=1)
    vertices_indices = b[1:] - 1
    return {"points": points, "s1": s1, "s2": s2, "vertices_range": vertices_range,
            "vertices_indices": vertices_indices, "min_y_cache": min_y_cache,
            "max_y_cache": max_y_cache, "x_check_cache": x_check_cache}

def reference(points, s1, s2, vertices_range, vertices_indices, min_y_cache, max_y_cache, x_check_cache):
    min_y = min_y_cache
    y_check = jnp.logical_and(points[:, 1] >= min_y, points[:, 1] < max_y_cache)
    x_check = s2[:, 0] + (points[:, 1] - s2[:, 1]) * x_check_cache
    x_check = x_check >= points[:, 0]
    is_intersect = jnp.logical_and(y_check, x_check).astype(jnp.int32)
    c = jnp.cumsum(is_intersect)[vertices_indices]
    is_inside = jnp.concatenate([c[:1], c[1:] - c[:-1]])
    sel = (is_inside == 1).astype(jnp.int32)
    inside_indices_mask = jnp.zeros(points.shape[0] + 1, dtype=jnp.int32)
    inside_indices_mask = inside_indices_mask.at[vertices_range[:, 0]].add(sel)
    inside_indices_mask = inside_indices_mask.at[vertices_range[:, 1]].add(-sel)
    inside_indices_mask = (jnp.cumsum(inside_indices_mask) != 0)[:-1]
    return inside_indices_mask

if __name__ == "__main__":
    import jax
    _d = setup_inputs()
    print(jax.jit(kernel)(*tuple(_d.values())))

</pallas_src>

<mosaic_0001>
#map = affine_map<(d0, d1) -> (0)>
module attributes {stable_mosaic.version = 14 : i64} {
  func.func @_sc_body(%arg0: i32, %arg1: i32, %arg2: memref<1048576xf32, #tpu.memory_space<hbm>>, %arg3: memref<1048576xf32, #tpu.memory_space<hbm>>, %arg4: memref<1048576xf32, #tpu.memory_space<hbm>>, %arg5: memref<1048576xf32, #tpu.memory_space<hbm>>, %arg6: memref<1048576xf32, #tpu.memory_space<hbm>>, %arg7: memref<1048576xf32, #tpu.memory_space<hbm>>, %arg8: memref<1048576xf32, #tpu.memory_space<hbm>>, %arg9: memref<8192xi32, #tpu.memory_space<hbm>>, %arg10: memref<28672xf32, #tpu.memory_space<vmem>>, %arg11: memref<28672xf32, #tpu.memory_space<vmem>>, %arg12: memref<256xi32, #tpu.memory_space<vmem>>, %arg13: memref<!tpu.dma_semaphore, #tpu.memory_space<semaphore_mem>>, %arg14: memref<!tpu.dma_semaphore, #tpu.memory_space<semaphore_mem>>) attributes {dimension_semantics = [#tpu.dimension_semantics<core_parallel>, #tpu.dimension_semantics<subcore_parallel>], iteration_bounds = array<i64: 2, 16>, scalar_prefetch = 0 : i64, scratch_operands = 5 : i64, tpu.core_type = #tpu.core_type<sc_vector_subcore>, window_params = [{transform_indices = #map}, {transform_indices = #map}, {transform_indices = #map}, {transform_indices = #map}, {transform_indices = #map}, {transform_indices = #map}, {transform_indices = #map}, {transform_indices = #map}]} {
    %mul3A = arith.constant 2 : i32
    %mul3A_0 = arith.muli %arg1, %mul3A : i32
    %add3A = arith.addi %mul3A_0, %arg0 : i32
    %mul3A_1 = arith.constant 32768 : i32
    %mul3A_2 = arith.muli %add3A, %mul3A_1 : i32
    %mul3A_3 = arith.constant 256 : i32
    %mul3A_4 = arith.muli %add3A, %mul3A_3 : i32
    %iota3A = tpu.iota {dimensions = array<i32: 0>} : vector<16xi32>
    %add3A_5 = arith.constant 0 : i32
    %add3A_6 = arith.addi %mul3A_2, %add3A_5 : i32
    %dma_start3A = arith.constant 0 : i32
    %dma_start3A_7 = tpu.memref_slice %arg10[%dma_start3A] : memref<28672xf32, #tpu.memory_space<vmem>> -> memref<4096xf32, #tpu.memory_space<vmem>>
    %dma_start3A_8 = tpu.memref_slice %arg2[%add3A_6] : memref<1048576xf32, #tpu.memory_space<hbm>> -> memref<4096xf32, #tpu.memory_space<hbm>>
    %dma_start3A_9 = arith.constant 0 : i32
    %dma_start3A_10 = tpu.memref_slice %arg10[%dma_start3A_9] : memref<28672xf32, #tpu.memory_space<vmem>> -> memref<4096xf32, #tpu.memory_space<vmem>>
    %dma_start3A_11 = tpu.memref_slice %arg2[%add3A_6] : memref<1048576xf32, #tpu.memory_space<hbm>> -> memref<4096xf32, #tpu.memory_space<hbm>>
    tpu.enqueue_dma source(%dma_start3A_11 : memref<4096xf32, #tpu.memory_space<hbm>>) target(%dma_start3A_10 : memref<4096xf32, #tpu.memory_space<vmem>>) target_semaphore(%arg13 : memref<!tpu.dma_semaphore, #tpu.memory_space<semaphore_mem>>)
    %dma_start3A_12 = arith.constant 4096 : i32
    %dma_start3A_13 = tpu.memref_slice %arg10[%dma_start3A_12] : memref<28672xf32, #tpu.memory_space<vmem>> -> memref<4096xf32, #tpu.memory_space<vmem>>
    %dma_start3A_14 = tpu.memref_slice %arg3[%add3A_6] : memref<1048576xf32, #tpu.memory_space<hbm>> -> memref<4096xf32, #tpu.memory_space<hbm>>
    %dma_start3A_15 = arith.constant 4096 : i32
    %dma_start3A_16 = tpu.memref_slice %arg10[%dma_start3A_15] : memref<28672xf32, #tpu.memory_space<vmem>> -> memref<4096xf32, #tpu.memory_space<vmem>>
    %dma_start3A_17 = tpu.memref_slice %arg3[%add3A_6] : memref<1048576xf32, #tpu.memory_space<hbm>> -> memref<4096xf32, #tpu.memory_space<hbm>>
    tpu.enqueue_dma source(%dma_start3A_17 : memref<4096xf32, #tpu.memory_space<hbm>>) target(%dma_start3A_16 : memref<4096xf32, #tpu.memory_space<vmem>>) target_semaphore(%arg13 : memref<!tpu.dma_semaphore, #tpu.memory_space<semaphore_mem>>)
    %dma_start3A_18 = arith.constant 8192 : i32
    %dma_start3A_19 = tpu.memref_slice %arg10[%dma_start3A_18] : memref<28672xf32, #tpu.memory_space<vmem>> -> memref<4096xf32, #tpu.memory_space<vmem>>
    %dma_start3A_20 = tpu.memref_slice %arg4[%add3A_6] : memref<1048576xf32, #tpu.memory_space<hbm>> -> memref<4096xf32, #tpu.memory_space<hbm>>
    %dma_start3A_21 = arith.constant 8192 : i32
    %dma_start3A_22 = tpu.memref_slice %arg10[%dma_start3A_21] : memref<28672xf32, #tpu.memory_space<vmem>> -> memref<4096xf32, #tpu.memory_space<vmem>>
    %dma_start3A_23 = tpu.memref_slice %arg4[%add3A_6] : memref<1048576xf32, #tpu.memory_space<hbm>> -> memref<4096xf32, #tpu.memory_space<hbm>>
    tpu.enqueue_dma source(%dma_start3A_23 : memref<4096xf32, #tpu.memory_space<hbm>>) target(%dma_start3A_22 : memref<4096xf32, #tpu.memory_space<vmem>>) target_semaphore(%arg13 : memref<!tpu.dma_semaphore, #tpu.memory_space<semaphore_mem>>)
    %dma_start3A_24 = arith.constant 12288 : i32
    %dma_start3A_25 = tpu.memref_slice %arg10[%dma_start3A_24] : memref<28672xf32, #tpu.memory_space<vmem>> -> memref<4096xf32, #tpu.memory_space<vmem>>
    %dma_start3A_26 = tpu.memref_slice %arg5[%add3A_6] : memref<1048576xf32, #tpu.memory_space<hbm>> -> memref<4096xf32, #tpu.memory_space<hbm>>
    %dma_start3A_27 = arith.constant 12288 : i32
    %dma_start3A_28 = tpu.memref_slice %arg10[%dma_start3A_27] : memref<28672xf32, #tpu.memory_space<vmem>> -> memref<4096xf32, #tpu.memory_space<vmem>>
    %dma_start3A_29 = tpu.memref_slice %arg5[%add3A_6] : memref<1048576xf32, #tpu.memory_space<hbm>> -> memref<4096xf32, #tpu.memory_space<hbm>>
    tpu.enqueue_dma source(%dma_start3A_29 : memref<4096xf32, #tpu.memory_space<hbm>>) target(%dma_start3A_28 : memref<4096xf32, #tpu.memory_space<vmem>>) target_semaphore(%arg13 : memref<!tpu.dma_semaphore, #tpu.memory_space<semaphore_mem>>)
    %dma_start3A_30 = arith.constant 16384 : i32
    %dma_start3A_31 = tpu.memref_slice %arg10[%dma_start3A_30] : memref<28672xf32, #tpu.memory_space<vmem>> -> memref<4096xf32, #tpu.memory_space<vmem>>
    %dma_start3A_32 = tpu.memref_slice %arg6[%add3A_6] : memref<1048576xf32, #tpu.memory_space<hbm>> -> memref<4096xf32, #tpu.memory_space<hbm>>
    %dma_start3A_33 = arith.constant 16384 : i32
    %dma_start3A_34 = tpu.memref_slice %arg10[%dma_start3A_33] : memref<28672xf32, #tpu.memory_space<vmem>> -> memref<4096xf32, #tpu.memory_space<vmem>>
    %dma_start3A_35 = tpu.memref_slice %arg6[%add3A_6] : memref<1048576xf32, #tpu.memory_space<hbm>> -> memref<4096xf32, #tpu.memory_space<hbm>>
    tpu.enqueue_dma source(%dma_start3A_35 : memref<4096xf32, #tpu.memory_space<hbm>>) target(%dma_start3A_34 : memref<4096xf32, #tpu.memory_space<vmem>>) target_semaphore(%arg13 : memref<!tpu.dma_semaphore, #tpu.memory_space<semaphore_mem>>)
    %dma_start3A_36 = arith.constant 20480 : i32
    %dma_start3A_37 = tpu.memref_slice %arg10[%dma_start3A_36] : memref<28672xf32, #tpu.memory_space<vmem>> -> memref<4096xf32, #tpu.memory_space<vmem>>
    %dma_start3A_38 = tpu.memref_slice %arg7[%add3A_6] : memref<1048576xf32, #tpu.memory_space<hbm>> -> memref<4096xf32, #tpu.memory_space<hbm>>
    %dma_start3A_39 = arith.constant 20480 : i32
    %dma_start3A_40 = tpu.memref_slice %arg10[%dma_start3A_39] : memref<28672xf32, #tpu.memory_space<vmem>> -> memref<4096xf32, #tpu.memory_space<vmem>>
    %dma_start3A_41 = tpu.memref_slice %arg7[%add3A_6] : memref<1048576xf32, #tpu.memory_space<hbm>> -> memref<4096xf32, #tpu.memory_space<hbm>>
    tpu.enqueue_dma source(%dma_start3A_41 : memref<4096xf32, #tpu.memory_space<hbm>>) target(%dma_start3A_40 : memref<4096xf32, #tpu.memory_space<vmem>>) target_semaphore(%arg13 : memref<!tpu.dma_semaphore, #tpu.memory_space<semaphore_mem>>)
    %dma_start3A_42 = arith.constant 24576 : i32
    %dma_start3A_43 = tpu.memref_slice %arg10[%dma_start3A_42] : memref<28672xf32, #tpu.memory_space<vmem>> -> memref<4096xf32, #tpu.memory_space<vmem>>
    %dma_start3A_44 = tpu.memref_slice %arg8[%add3A_6] : memref<1048576xf32, #tpu.memory_space<hbm>> -> memref<4096xf32, #tpu.memory_space<hbm>>
    %dma_start3A_45 = arith.constant 24576 : i32
    %dma_start3A_46 = tpu.memref_slice %arg10[%dma_start3A_45] : memref<28672xf32, #tpu.memory_space<vmem>> -> memref<4096xf32, #tpu.memory_space<vmem>>
    %dma_start3A_47 = tpu.memref_slice %arg8[%add3A_6] : memref<1048576xf32, #tpu.memory_space<hbm>> -> memref<4096xf32, #tpu.memory_space<hbm>>
    tpu.enqueue_dma source(%dma_start3A_47 : memref<4096xf32, #tpu.memory_space<hbm>>) target(%dma_start3A_46 : memref<4096xf32, #tpu.memory_space<vmem>>) target_semaphore(%arg13 : memref<!tpu.dma_semaphore, #tpu.memory_space<semaphore_mem>>)
    %add3A_48 = arith.constant 4096 : i32
    %add3A_49 = arith.addi %mul3A_2, %add3A_48 : i32
    %dma_start3A_50 = arith.constant 0 : i32
    %dma_start3A_51 = tpu.memref_slice %arg11[%dma_start3A_50] : memref<28672xf32, #tpu.memory_space<vmem>> -> memref<4096xf32, #tpu.memory_space<vmem>>
    %dma_start3A_52 = tpu.memref_slice %arg2[%add3A_49] : memref<1048576xf32, #tpu.memory_space<hbm>> -> memref<4096xf32, #tpu.memory_space<hbm>>
    %dma_start3A_53 = arith.constant 0 : i32
    %dma_start3A_54 = tpu.memref_slice %arg11[%dma_start3A_53] : memref<28672xf32, #tpu.memory_space<vmem>> -> memref<4096xf32, #tpu.memory_space<vmem>>
    %dma_start3A_55 = tpu.memref_slice %arg2[%add3A_49] : memref<1048576xf32, #tpu.memory_space<hbm>> -> memref<4096xf32, #tpu.memory_space<hbm>>
    tpu.enqueue_dma source(%dma_start3A_55 : memref<4096xf32, #tpu.memory_space<hbm>>) target(%dma_start3A_54 : memref<4096xf32, #tpu.memory_space<vmem>>) target_semaphore(%arg14 : memref<!tpu.dma_semaphore, #tpu.memory_space<semaphore_mem>>)
    %dma_start3A_56 = arith.constant 4096 : i32
    %dma_start3A_57 = tpu.memref_slice %arg11[%dma_start3A_56] : memref<28672xf32, #tpu.memory_space<vmem>> -> memref<4096xf32, #tpu.memory_space<vmem>>
    %dma_start3A_58 = tpu.memref_slice %arg3[%add3A_49] : memref<1048576xf32, #tpu.memory_space<hbm>> -> memref<4096xf32, #tpu.memory_space<hbm>>
    %dma_start3A_59 = arith.constant 4096 : i32
    %dma_start3A_60 = tpu.memref_slice %arg11[%dma_start3A_59] : memref<28672xf32, #tpu.memory_space<vmem>> -> memref<4096xf32, #tpu.memory_space<vmem>>
    %dma_start3A_61 = tpu.memref_slice %arg3[%add3A_49] : memref<1048576xf32, #tpu.memory_space<hbm>> -> memref<4096xf32, #tpu.memory_space<hbm>>
    tpu.enqueue_dma source(%dma_start3A_61 : memref<4096xf32, #tpu.memory_space<hbm>>) target(%dma_start3A_60 : memref<4096xf32, #tpu.memory_space<vmem>>) target_semaphore(%arg14 : memref<!tpu.dma_semaphore, #tpu.memory_space<semaphore_mem>>)
    %dma_start3A_62 = arith.constant 8192 : i32
    %dma_start3A_63 = tpu.memref_slice %arg11[%dma_start3A_62] : memref<28672xf32, #tpu.memory_space<vmem>> -> memref<4096xf32, #tpu.memory_space<vmem>>
    %dma_start3A_64 = tpu.memref_slice %arg4[%add3A_49] : memref<1048576xf32, #tpu.memory_space<hbm>> -> memref<4096xf32, #tpu.memory_space<hbm>>
    %dma_start3A_65 = arith.constant 8192 : i32
    %dma_start3A_66 = tpu.memref_slice %arg11[%dma_start3A_65] : memref<28672xf32, #tpu.memory_space<vmem>> -> memref<4096xf32, #tpu.memory_space<vmem>>
    %dma_start3A_67 = tpu.memref_slice %arg4[%add3A_49] : memref<1048576xf32, #tpu.memory_space<hbm>> -> memref<4096xf32, #tpu.memory_space<hbm>>
    tpu.enqueue_dma source(%dma_start3A_67 : memref<4096xf32, #tpu.memory_space<hbm>>) target(%dma_start3A_66 : memref<4096xf32, #tpu.memory_space<vmem>>) target_semaphore(%arg14 : memref<!tpu.dma_semaphore, #tpu.memory_space<semaphore_mem>>)
    %dma_start3A_68 = arith.constant 12288 : i32
    %dma_start3A_69 = tpu.memref_slice %arg11[%dma_start3A_68] : memref<28672xf32, #tpu.memory_space<vmem>> -> memref<4096xf32, #tpu.memory_space<vmem>>
    %dma_start3A_70 = tpu.memref_slice %arg5[%add3A_49] : memref<1048576xf32, #tpu.memory_space<hbm>> -> memref<4096xf32, #tpu.memory_space<hbm>>
    %dma_start3A_71 = arith.constant 12288 : i32
    %dma_start3A_72 = tpu.memref_slice %arg11[%dma_start3A_71] : memref<28672xf32, #tpu.memory_space<vmem>> -> memref<4096xf32, #tpu.memory_space<vmem>>
    %dma_start3A_73 = tpu.memref_slice %arg5[%add3A_49] : memref<1048576xf32, #tpu.memory_space<hbm>> -> memref<4096xf32, #tpu.memory_space<hbm>>
    tpu.enqueue_dma source(%dma_start3A_73 : memref<4096xf32, #tpu.memory_space<hbm>>) target(%dma_start3A_72 : memref<4096xf32, #tpu.memory_space<vmem>>) target_semaphore(%arg14 : memref<!tpu.dma_semaphore, #tpu.memory_space<semaphore_mem>>)
    %dma_start3A_74 = arith.constant 16384 : i32
    %dma_start3A_75 = tpu.memref_slice %arg11[%dma_start3A_74] : memref<28672xf32, #tpu.memory_space<vmem>> -> memref<4096xf32, #tpu.memory_space<vmem>>
    %dma_start3A_76 = tpu.memref_slice %arg6[%add3A_49] : memref<1048576xf32, #tpu.memory_space<hbm>> -> memref<4096xf32, #tpu.memory_space<hbm>>
    %dma_start3A_77 = arith.constant 16384 : i32
    %dma_start3A_78 = tpu.memref_slice %arg11[%dma_start3A_77] : memref<28672xf32, #tpu.memory_space<vmem>> -> memref<4096xf32, #tpu.memory_space<vmem>>
    %dma_start3A_79 = tpu.memref_slice %arg6[%add3A_49] : memref<1048576xf32, #tpu.memory_space<hbm>> -> memref<4096xf32, #tpu.memory_space<hbm>>
    tpu.enqueue_dma source(%dma_start3A_79 : memref<4096xf32, #tpu.memory_space<hbm>>) target(%dma_start3A_78 : memref<4096xf32, #tpu.memory_space<vmem>>) target_semaphore(%arg14 : memref<!tpu.dma_semaphore, #tpu.memory_space<semaphore_mem>>)
    %dma_start3A_80 = arith.constant 20480 : i32
    %dma_start3A_81 = tpu.memref_slice %arg11[%dma_start3A_80] : memref<28672xf32, #tpu.memory_space<vmem>> -> memref<4096xf32, #tpu.memory_space<vmem>>
    %dma_start3A_82 = tpu.memref_slice %arg7[%add3A_49] : memref<1048576xf32, #tpu.memory_space<hbm>> -> memref<4096xf32, #tpu.memory_space<hbm>>
    %dma_start3A_83 = arith.constant 20480 : i32
    %dma_start3A_84 = tpu.memref_slice %arg11[%dma_start3A_83] : memref<28672xf32, #tpu.memory_space<vmem>> -> memref<4096xf32, #tpu.memory_space<vmem>>
    %dma_start3A_85 = tpu.memref_slice %arg7[%add3A_49] : memref<1048576xf32, #tpu.memory_space<hbm>> -> memref<4096xf32, #tpu.memory_space<hbm>>
    tpu.enqueue_dma source(%dma_start3A_85 : memref<4096xf32, #tpu.memory_space<hbm>>) target(%dma_start3A_84 : memref<4096xf32, #tpu.memory_space<vmem>>) target_semaphore(%arg14 : memref<!tpu.dma_semaphore, #tpu.memory_space<semaphore_mem>>)
    %dma_start3A_86 = arith.constant 24576 : i32
    %dma_start3A_87 = tpu.memref_slice %arg11[%dma_start3A_86] : memref<28672xf32, #tpu.memory_space<vmem>> -> memref<4096xf32, #tpu.memory_space<vmem>>
    %dma_start3A_88 = tpu.memref_slice %arg8[%add3A_49] : memref<1048576xf32, #tpu.memory_space<hbm>> -> memref<4096xf32, #tpu.memory_space<hbm>>
    %dma_start3A_89 = arith.constant 24576 : i32
    %dma_start3A_90 = tpu.memref_slice %arg11[%dma_start3A_89] : memref<28672xf32, #tpu.memory_space<vmem>> -> memref<4096xf32, #tpu.memory_space<vmem>>
    %dma_start3A_91 = tpu.memref_slice %arg8[%add3A_49] : memref<1048576xf32, #tpu.memory_space<hbm>> -> memref<4096xf32, #tpu.memory_space<hbm>>
    tpu.enqueue_dma source(%dma_start3A_91 : memref<4096xf32, #tpu.memory_space<hbm>>) target(%dma_start3A_90 : memref<4096xf32, #tpu.memory_space<vmem>>) target_semaphore(%arg14 : memref<!tpu.dma_semaphore, #tpu.memory_space<semaphore_mem>>)
    %scan3A = arith.constant 0 : i32
    %scan3A_92 = arith.constant 0 : i32
    %scan3A_93 = arith.constant 4 : i32
    %scan3A_94 = arith.addi %scan3A_92, %scan3A_93 : i32
    %scan3A_95 = arith.constant 1 : i32
    scf.for %scan3A_97 = %scan3A_92 to %scan3A_94 step %scan3A_95  : i32 {
      %mul3A_98 = arith.constant 2 : i32
      %mul3A_99 = arith.muli %scan3A_97, %mul3A_98 : i32
      %add3A_100 = arith.constant 0 : i32
      %add3A_101 = arith.addi %mul3A_99, %add3A_100 : i32
      %dma_wait3A = arith.constant 0 : i32
      %dma_wait3A_102 = tpu.memref_slice %arg10[%dma_wait3A] : memref<28672xf32, #tpu.memory_space<vmem>> -> memref<4096xf32, #tpu.memory_space<vmem>>
      %dma_wait3A_103 = arith.constant 0 : i32
      %dma_wait3A_104 = tpu.memref_slice %arg2[%dma_wait3A_103] : memref<1048576xf32, #tpu.memory_space<hbm>> -> memref<4096xf32, #tpu.memory_space<hbm>>
      %dma_wait3A_105 = arith.constant 0 : i32
      %dma_wait3A_106 = tpu.memref_slice %arg10[%dma_wait3A_105] : memref<28672xf32, #tpu.memory_space<vmem>> -> memref<4096xf32, #tpu.memory_space<vmem>>
      %dma_wait3A_107 = arith.constant 0 : i32
      %dma_wait3A_108 = tpu.memref_slice %arg2[%dma_wait3A_107] : memref<1048576xf32, #tpu.memory_space<hbm>> -> memref<4096xf32, #tpu.memory_space<hbm>>
      tpu.wait_dma2 semaphore(%arg13 : memref<!tpu.dma_semaphore, #tpu.memory_space<semaphore_mem>>) src(%dma_wait3A_108 : memref<4096xf32, #tpu.memory_space<hbm>>) dst(%dma_wait3A_106 : memref<4096xf32, #tpu.memory_space<vmem>>)
      %dma_wait3A_109 = arith.constant 4096 : i32
      %dma_wait3A_110 = tpu.memref_slice %arg10[%dma_wait3A_109] : memref<28672xf32, #tpu.memory_space<vmem>> -> memref<4096xf32, #tpu.memory_space<vmem>>
      %dma_wait3A_111 = arith.constant 0 : i32
      %dma_wait3A_112 = tpu.memref_slice %arg3[%dma_wait3A_111] : memref<1048576xf32, #tpu.memory_space<hbm>> -> memref<4096xf32, #tpu.memory_space<hbm>>
      %dma_wait3A_113 = arith.constant 4096 : i32
      %dma_wait3A_114 = tpu.memref_slice %arg10[%dma_wait3A_113] : memref<28672xf32, #tpu.memory_space<vmem>> -> memref<4096xf32, #tpu.memory_space<vmem>>
      %dma_wait3A_115 = arith.constant 0 : i32
      %dma_wait3A_116 = tpu.memref_slice %arg3[%dma_wait3A_115] : memref<1048576xf32, #tpu.memory_space<hbm>> -> memref<4096xf32, #tpu.memory_space<hbm>>
      tpu.wait_dma2 semaphore(%arg13 : memref<!tpu.dma_semaphore, #tpu.memory_space<semaphore_mem>>) src(%dma_wait3A_116 : memref<4096xf32, #tpu.memory_space<hbm>>) dst(%dma_wait3A_114 : memref<4096xf32, #tpu.memory_space<vmem>>)
      %dma_wait3A_117 = arith.constant 8192 : i32
      %dma_wait3A_118 = tpu.memref_slice %arg10[%dma_wait3A_117] : memref<28672xf32, #tpu.memory_space<vmem>> -> memref<4096xf32, #tpu.memory_space<vmem>>
      %dma_wait3A_119 = arith.constant 0 : i32
      %dma_wait3A_120 = tpu.memref_slice %arg4[%dma_wait3A_119] : memref<1048576xf32, #tpu.memory_space<hbm>> -> memref<4096xf32, #tpu.memory_space<hbm>>
      %dma_wait3A_121 = arith.constant 8192 : i32
      %dma_wait3A_122 = tpu.memref_slice %arg10[%dma_wait3A_121] : memref<28672xf32, #tpu.memory_space<vmem>> -> memref<4096xf32, #tpu.memory_space<vmem>>
      %dma_wait3A_123 = arith.constant 0 : i32
      %dma_wait3A_124 = tpu.memref_slice %arg4[%dma_wait3A_123] : memref<1048576xf32, #tpu.memory_space<hbm>> -> memref<4096xf32, #tpu.memory_space<hbm>>
      tpu.wait_dma2 semaphore(%arg13 : memref<!tpu.dma_semaphore, #tpu.memory_space<semaphore_mem>>) src(%dma_wait3A_124 : memref<4096xf32, #tpu.memory_space<hbm>>) dst(%dma_wait3A_122 : memref<4096xf32, #tpu.memory_space<vmem>>)
      %dma_wait3A_125 = arith.constant 12288 : i32
      %dma_wait3A_126 = tpu.memref_slice %arg10[%dma_wait3A_125] : memref<28672xf32, #tpu.memory_space<vmem>> -> memref<4096xf32, #tpu.memory_space<vmem>>
      %dma_wait3A_127 = arith.constant 0 : i32
      %dma_wait3A_128 = tpu.memref_slice %arg5[%dma_wait3A_127] : memref<1048576xf32, #tpu.memory_space<hbm>> -> memref<4096xf32, #tpu.memory_space<hbm>>
      %dma_wait3A_129 = arith.constant 12288 : i32
      %dma_wait3A_130 = tpu.memref_slice %arg10[%dma_wait3A_129] : memref<28672xf32, #tpu.memory_space<vmem>> -> memref<4096xf32, #tpu.memory_space<vmem>>
      %dma_wait3A_131 = arith.constant 0 : i32
      %dma_wait3A_132 = tpu.memref_slice %arg5[%dma_wait3A_131] : memref<1048576xf32, #tpu.memory_space<hbm>> -> memref<4096xf32, #tpu.memory_space<hbm>>
      tpu.wait_dma2 semaphore(%arg13 : memref<!tpu.dma_semaphore, #tpu.memory_space<semaphore_mem>>) src(%dma_wait3A_132 : memref<4096xf32, #tpu.memory_space<hbm>>) dst(%dma_wait3A_130 : memref<4096xf32, #tpu.memory_space<vmem>>)
      %dma_wait3A_133 = arith.constant 16384 : i32
      %dma_wait3A_134 = tpu.memref_slice %arg10[%dma_wait3A_133] : memref<28672xf32, #tpu.memory_space<vmem>> -> memref<4096xf32, #tpu.memory_space<vmem>>
      %dma_wait3A_135 = arith.constant 0 : i32
      %dma_wait3A_136 = tpu.memref_slice %arg6[%dma_wait3A_135] : memref<1048576xf32, #tpu.memory_space<hbm>> -> memref<4096xf32, #tpu.memory_space<hbm>>
      %dma_wait3A_137 = arith.constant 16384 : i32
      %dma_wait3A_138 = tpu.memref_slice %arg10[%dma_wait3A_137] : memref<28672xf32, #tpu.memory_space<vmem>> -> memref<4096xf32, #tpu.memory_space<vmem>>
      %dma_wait3A_139 = arith.constant 0 : i32
      %dma_wait3A_140 = tpu.memref_slice %arg6[%dma_wait3A_139] : memref<1048576xf32, #tpu.memory_space<hbm>> -> memref<4096xf32, #tpu.memory_space<hbm>>
      tpu.wait_dma2 semaphore(%arg13 : memref<!tpu.dma_semaphore, #tpu.memory_space<semaphore_mem>>) src(%dma_wait3A_140 : memref<4096xf32, #tpu.memory_space<hbm>>) dst(%dma_wait3A_138 : memref<4096xf32, #tpu.memory_space<vmem>>)
      %dma_wait3A_141 = arith.constant 20480 : i32
      %dma_wait3A_142 = tpu.memref_slice %arg10[%dma_wait3A_141] : memref<28672xf32, #tpu.memory_space<vmem>> -> memref<4096xf32, #tpu.memory_space<vmem>>
      %dma_wait3A_143 = arith.constant 0 : i32
      %dma_wait3A_144 = tpu.memref_slice %arg7[%dma_wait3A_143] : memref<1048576xf32, #tpu.memory_space<hbm>> -> memref<4096xf32, #tpu.memory_space<hbm>>
      %dma_wait3A_145 = arith.constant 20480 : i32
      %dma_wait3A_146 = tpu.memref_slice %arg10[%dma_wait3A_145] : memref<28672xf32, #tpu.memory_space<vmem>> -> memref<4096xf32, #tpu.memory_space<vmem>>
      %dma_wait3A_147 = arith.constant 0 : i32
      %dma_wait3A_148 = tpu.memref_slice %arg7[%dma_wait3A_147] : memref<1048576xf32, #tpu.memory_space<hbm>> -> memref<4096xf32, #tpu.memory_space<hbm>>
      tpu.wait_dma2 semaphore(%arg13 : memref<!tpu.dma_semaphore, #tpu.memory_space<semaphore_mem>>) src(%dma_wait3A_148 : memref<4096xf32, #tpu.memory_space<hbm>>) dst(%dma_wait3A_146 : memref<4096xf32, #tpu.memory_space<vmem>>)
      %dma_wait3A_149 = arith.constant 24576 : i32
      %dma_wait3A_150 = tpu.memref_slice %arg10[%dma_wait3A_149] : memref<28672xf32, #tpu.memory_space<vmem>> -> memref<4096xf32, #tpu.memory_space<vmem>>
      %dma_wait3A_151 = arith.constant 0 : i32
      %dma_wait3A_152 = tpu.memref_slice %arg8[%dma_wait3A_151] : memref<1048576xf32, #tpu.memory_space<hbm>> -> memref<4096xf32, #tpu.memory_space<hbm>>
      %dma_wait3A_153 = arith.constant 24576 : i32
      %dma_wait3A_154 = tpu.memref_slice %arg10[%dma_wait3A_153] : memref<28672xf32, #tpu.memory_space<vmem>> -> memref<4096xf32, #tpu.memory_space<vmem>>
      %dma_wait3A_155 = arith.constant 0 : i32
      %dma_wait3A_156 = tpu.memref_slice %arg8[%dma_wait3A_155] : memref<1048576xf32, #tpu.memory_space<hbm>> -> memref<4096xf32, #tpu.memory_space<hbm>>
      tpu.wait_dma2 semaphore(%arg13 : memref<!tpu.dma_semaphore, #tpu.memory_space<semaphore_mem>>) src(%dma_wait3A_156 : memref<4096xf32, #tpu.memory_space<hbm>>) dst(%dma_wait3A_154 : memref<4096xf32, #tpu.memory_space<vmem>>)
      %broadcast_in_dim3A = arith.constant 0 : i32
      %broadcast_in_dim3A_157 = vector.broadcast %broadcast_in_dim3A : i32 to vector<16xi32>
      %scan3A_158 = arith.constant 0 : i32
      %scan3A_159 = arith.constant 32 : i32
      %scan3A_160 = arith.addi %scan3A_158, %scan3A_159 : i32
      %scan3A_161 = arith.constant 1 : i32
      %scan3A_162 = scf.for %scan3A_243 = %scan3A_158 to %scan3A_160 step %scan3A_161 iter_args(%scan3A_244 = %broadcast_in_dim3A_157) -> (vector<16xi32>)  : i32 {
        %mul3A_245 = arith.constant 128 : i32
        %mul3A_246 = arith.muli %scan3A_243, %mul3A_245 : i32
        %broadcast_in_dim3A_247 = arith.constant 0 : i32
        %broadcast_in_dim3A_248 = vector.broadcast %broadcast_in_dim3A_247 : i32 to vector<16xi32>
        %add3A_249 = arith.constant 0 : i32
        %add3A_250 = arith.addi %mul3A_246, %add3A_249 : i32
        %add3A_251 = arith.constant 0 : i32
        %add3A_252 = arith.addi %add3A_251, %add3A_250 : i32
        %get3A = arith.index_cast %add3A_252 : i32 to index
        %get3A_253 = tpu.vector_load %arg10[%get3A] {strides = array<i32>} : memref<28672xf32, #tpu.memory_space<vmem>>, vector<16xf32>,
        %add3A_254 = arith.constant 4096 : i32
        %add3A_255 = arith.addi %add3A_254, %add3A_250 : i32
        %get3A_256 = arith.index_cast %add3A_255 : i32 to index
        %get3A_257 = tpu.vector_load %arg10[%get3A_256] {strides = array<i32>} : memref<28672xf32, #tpu.memory_space<vmem>>, vector<16xf32>,
        %add3A_258 = arith.constant 8192 : i32
        %add3A_259 = arith.addi %add3A_258, %add3A_250 : i32
        %get3A_260 = arith.index_cast %add3A_259 : i32 to index
        %get3A_261 = tpu.vector_load %arg10[%get3A_260] {strides = array<i32>} : memref<28672xf32, #tpu.memory_space<vmem>>, vector<16xf32>,
        %add3A_262 = arith.constant 12288 : i32
        %add3A_263 = arith.addi %add3A_262, %add3A_250 : i32
        %get3A_264 = arith.index_cast %add3A_263 : i32 to index
        %get3A_265 = tpu.vector_load %arg10[%get3A_264] {strides = array<i32>} : memref<28672xf32, #tpu.memory_space<vmem>>, vector<16xf32>,
        %add3A_266 = arith.constant 16384 : i32
        %add3A_267 = arith.addi %add3A_266, %add3A_250 : i32
        %get3A_268 = arith.index_cast %add3A_267 : i32 to index
        %get3A_269 = tpu.vector_load %arg10[%get3A_268] {strides = array<i32>} : memref<28672xf32, #tpu.memory_space<vmem>>, vector<16xf32>,
        %add3A_270 = arith.constant 20480 : i32
        %add3A_271 = arith.addi %add3A_270, %add3A_250 : i32
        %get3A_272 = arith.index_cast %add3A_271 : i32 to index
        %get3A_273 = tpu.vector_load %arg10[%get3A_272] {strides = array<i32>} : memref<28672xf32, #tpu.memory_space<vmem>>, vector<16xf32>,
        %add3A_274 = arith.constant 24576 : i32
        %add3A_275 = arith.addi %add3A_274, %add3A_250 : i32
        %get3A_276 = arith.index_cast %add3A_275 : i32 to index
        %get3A_277 = tpu.vector_load %arg10[%get3A_276] {strides = array<i32>} : memref<28672xf32, #tpu.memory_space<vmem>>, vector<16xf32>,
        %ge3A = arith.cmpf oge, %get3A_257, %get3A_269 : vector<16xf32>
        %lt3A_278 = arith.cmpf olt, %get3A_257, %get3A_273 : vector<16xf32>
        %and3A = arith.andi %ge3A, %lt3A_278 : vector<16xi1>
        %sub3A = arith.subf %get3A_257, %get3A_265 : vector<16xf32>
        %mul3A_279 = arith.mulf %sub3A, %get3A_277 : vector<16xf32>
        %add3A_280 = arith.addf %get3A_261, %mul3A_279 : vector<16xf32>
        %ge3A_281 = arith.cmpf oge, %add3A_280, %get3A_253 : vector<16xf32>
        %and3A_282 = arith.andi %and3A, %ge3A_281 : vector<16xi1>
        %jit3A = arith.constant 1 : i32
        %jit3A_283 = arith.constant 0 : i32
        %broadcast_in_dim3A_284 = vector.broadcast %jit3A : i32 to vector<16xi32>
        %broadcast_in_dim3A_285 = vector.broadcast %jit3A_283 : i32 to vector<16xi32>
        %select_n3A = arith.select %and3A_282, %broadcast_in_dim3A_284, %broadcast_in_dim3A_285 : vector<16xi1>, vector<16xi32>
        %add3A_286 = arith.addi %broadcast_in_dim3A_248, %select_n3A : vector<16xi32>
        %add3A_287 = arith.constant 16 : i32
        %add3A_288 = arith.addi %mul3A_246, %add3A_287 : i32
        %add3A_289 = arith.constant 0 : i32
        %add3A_290 = arith.addi %add3A_289, %add3A_288 : i32
        %get3A_291 = arith.index_cast %add3A_290 : i32 to index
        %get3A_292 = tpu.vector_load %arg10[%get3A_291] {strides = array<i32>} : memref<28672xf32, #tpu.memory_space<vmem>>, vector<16xf32>,
        %add3A_293 = arith.constant 4096 : i32
        %add3A_294 = arith.addi %add3A_293, %add3A_288 : i32
        %get3A_295 = arith.index_cast %add3A_294 : i32 to index
        %get3A_296 = tpu.vector_load %arg10[%get3A_295] {strides = array<i32>} : memref<28672xf32, #tpu.memory_space<vmem>>, vector<16xf32>,
        %add3A_297 = arith.constant 8192 : i32
        %add3A_298 = arith.addi %add3A_297, %add3A_288 : i32
        %get3A_299 = arith.index_cast %add3A_298 : i32 to index
        %get3A_300 = tpu.vector_load %arg10[%get3A_299] {strides = array<i32>} : memref<28672xf32, #tpu.memory_space<vmem>>, vector<16xf32>,
        %add3A_301 = arith.constant 12288 : i32
        %add3A_302 = arith.addi %add3A_301, %add3A_288 : i32
        %get3A_303 = arith.index_cast %add3A_302 : i32 to index
        %get3A_304 = tpu.vector_load %arg10[%get3A_303] {strides = array<i32>} : memref<28672xf32, #tpu.memory_space<vmem>>, vector<16xf32>,
        %add3A_305 = arith.constant 16384 : i32
        %add3A_306 = arith.addi %add3A_305, %add3A_288 : i32
        %get3A_307 = arith.index_cast %add3A_306 : i32 to index
        %get3A_308 = tpu.vector_load %arg10[%get3A_307] {strides = array<i32>} : memref<28672xf32, #tpu.memory_space<vmem>>, vector<16xf32>,
        %add3A_309 = arith.constant 20480 : i32
        %add3A_310 = arith.addi %add3A_309, %add3A_288 : i32
        %get3A_311 = arith.index_cast %add3A_310 : i32 to index
        %get3A_312 = tpu.vector_load %arg10[%get3A_311] {strides = array<i32>} : memref<28672xf32, #tpu.memory_space<vmem>>, vector<16xf32>,
        %add3A_313 = arith.constant 24576 : i32
        %add3A_314 = arith.addi %add3A_313, %add3A_288 : i32
        %get3A_315 = arith.index_cast %add3A_314 : i32 to index
        %get3A_316 = tpu.vector_load %arg10[%get3A_315] {strides = array<i32>} : memref<28672xf32, #tpu.memory_space<vmem>>, vector<16xf32>,
        %ge3A_317 = arith.cmpf oge, %get3A_296, %get3A_308 : vector<16xf32>
        %lt3A_318 = arith.cmpf olt, %get3A_296, %get3A_312 : vector<16xf32>
        %and3A_319 = arith.andi %ge3A_317, %lt3A_318 : vector<16xi1>
        %sub3A_320 = arith.subf %get3A_296, %get3A_304 : vector<16xf32>
        %mul3A_321 = arith.mulf %sub3A_320, %get3A_316 : vector<16xf32>
        %add3A_322 = arith.addf %get3A_300, %mul3A_321 : vector<16xf32>
        %ge3A_323 = arith.cmpf oge, %add3A_322, %get3A_292 : vector<16xf32>
        %and3A_324 = arith.andi %and3A_319, %ge3A_323 : vector<16xi1>
        %jit3A_325 = arith.constant 1 : i32
        %jit3A_326 = arith.constant 0 : i32
        %broadcast_in_dim3A_327 = vector.broadcast %jit3A_325 : i32 to vector<16xi32>
        %broadcast_in_dim3A_328 = vector.broadcast %jit3A_326 : i32 to vector<16xi32>
        %select_n3A_329 = arith.select %and3A_324, %broadcast_in_dim3A_327, %broadcast_in_dim3A_328 : vector<16xi1>, vector<16xi32>
        %add3A_330 = arith.addi %add3A_286, %select_n3A_329 : vector<16xi32>
        %add3A_331 = arith.constant 32 : i32
        %add3A_332 = arith.addi %mul3A_246, %add3A_331 : i32
        %add3A_333 = arith.constant 0 : i32
        %add3A_334 = arith.addi %add3A_333, %add3A_332 : i32
        %get3A_335 = arith.index_cast %add3A_334 : i32 to index
        %get3A_336 = tpu.vector_load %arg10[%get3A_335] {strides = array<i32>} : memref<28672xf32, #tpu.memory_space<vmem>>, vector<16xf32>,
        %add3A_337 = arith.constant 4096 : i32
        %add3A_338 = arith.addi %add3A_337, %add3A_332 : i32
        %get3A_339 = arith.index_cast %add3A_338 : i32 to index
        %get3A_340 = tpu.vector_load %arg10[%get3A_339] {strides = array<i32>} : memref<28672xf32, #tpu.memory_space<vmem>>, vector<16xf32>,
        %add3A_341 = arith.constant 8192 : i32
        %add3A_342 = arith.addi %add3A_341, %add3A_332 : i32
        %get3A_343 = arith.index_cast %add3A_342 : i32 to index
        %get3A_344 = tpu.vector_load %arg10[%get3A_343] {strides = array<i32>} : memref<28672xf32, #tpu.memory_space<vmem>>, vector<16xf32>,
        %add3A_345 = arith.constant 12288 : i32
        %add3A_346 = arith.addi %add3A_345, %add3A_332 : i32
        %get3A_347 = arith.index_cast %add3A_346 : i32 to index
        %get3A_348 = tpu.vector_load %arg10[%get3A_347] {strides = array<i32>} : memref<28672xf32, #tpu.memory_space<vmem>>, vector<16xf32>,
        %add3A_349 = arith.constant 16384 : i32
        %add3A_350 = arith.addi %add3A_349, %add3A_332 : i32
        %get3A_351 = arith.index_cast %add3A_350 : i32 to index
        %get3A_352 = tpu.vector_load %arg10[%get3A_351] {strides = array<i32>} : memref<28672xf32, #tpu.memory_space<vmem>>, vector<16xf32>,
        %add3A_353 = arith.constant 20480 : i32
        %add3A_354 = arith.addi %add3A_353, %add3A_332 : i32
        %get3A_355 = arith.index_cast %add3A_354 : i32 to index
        %get3A_356 = tpu.vector_load %arg10[%get3A_355] {strides = array<i32>} : memref<28672xf32, #tpu.memory_space<vmem>>, vector<16xf32>,
        %add3A_357 = arith.constant 24576 : i32
        %add3A_358 = arith.addi %add3A_357, %add3A_332 : i32
        %get3A_359 = arith.index_cast %add3A_358 : i32 to index
        %get3A_360 = tpu.vector_load %arg10[%get3A_359] {strides = array<i32>} : memref<28672xf32, #tpu.memory_space<vmem>>, vector<16xf32>,
        %ge3A_361 = arith.cmpf oge, %get3A_340, %get3A_352 : vector<16xf32>
        %lt3A_362 = arith.cmpf olt, %get3A_340, %get3A_356 : vector<16xf32>
        %and3A_363 = arith.andi %ge3A_361, %lt3A_362 : vector<16xi1>
        %sub3A_364 = arith.subf %get3A_340, %get3A_348 : vector<16xf32>
        %mul3A_365 = arith.mulf %sub3A_364, %get3A_360 : vector<16xf32>
        %add3A_366 = arith.addf %get3A_344, %mul3A_365 : vector<16xf32>
        %ge3A_367 = arith.cmpf oge, %add3A_366, %get3A_336 : vector<16xf32>
        %and3A_368 = arith.andi %and3A_363, %ge3A_367 : vector<16xi1>
        %jit3A_369 = arith.constant 1 : i32
        %jit3A_370 = arith.constant 0 : i32
        %broadcast_in_dim3A_371 = vector.broadcast %jit3A_369 : i32 to vector<16xi32>
        %broadcast_in_dim3A_372 = vector.broadcast %jit3A_370 : i32 to vector<16xi32>
        %select_n3A_373 = arith.select %and3A_368, %broadcast_in_dim3A_371, %broadcast_in_dim3A_372 : vector<16xi1>, vector<16xi32>
        %add3A_374 = arith.addi %add3A_330, %select_n3A_373 : vector<16xi32>
        %add3A_375 = arith.constant 48 : i32
        %add3A_376 = arith.addi %mul3A_246, %add3A_375 : i32
        %add3A_377 = arith.constant 0 : i32
        %add3A_378 = arith.addi %add3A_377, %add3A_376 : i32
        %get3A_379 = arith.index_cast %add3A_378 : i32 to index
        %get3A_380 = tpu.vector_load %arg10[%get3A_379] {strides = array<i32>} : memref<28672xf32, #tpu.memory_space<vmem>>, vector<16xf32>,
        %add3A_381 = arith.constant 4096 : i32
        %add3A_382 = arith.addi %add3A_381, %add3A_376 : i32
        %get3A_383 = arith.index_cast %add3A_382 : i32 to index
        %get3A_384 = tpu.vector_load %arg10[%get3A_383] {strides = array<i32>} : memref<28672xf32, #tpu.memory_space<vmem>>, vector<16xf32>,
        %add3A_385 = arith.constant 8192 : i32
        %add3A_386 = arith.addi %add3A_385, %add3A_376 : i32
        %get3A_387 = arith.index_cast %add3A_386 : i32 to index
        %get3A_388 = tpu.vector_load %arg10[%get3A_387] {strides = array<i32>} : memref<28672xf32, #tpu.memory_space<vmem>>, vector<16xf32>,
        %add3A_389 = arith.constant 12288 : i32
        %add3A_390 = arith.addi %add3A_389, %add3A_376 : i32
        %get3A_391 = arith.index_cast %add3A_390 : i32 to index
        %get3A_392 = tpu.vector_load %arg10[%get3A_391] {strides = array<i32>} : memref<28672xf32, #tpu.memory_space<vmem>>, vector<16xf32>,
        %add3A_393 = arith.constant 16384 : i32
        %add3A_394 = arith.addi %add3A_393, %add3A_376 : i32
        %get3A_395 = arith.index_cast %add3A_394 : i32 to index
        %get3A_396 = tpu.vector_load %arg10[%get3A_395] {strides = array<i32>} : memref<28672xf32, #tpu.memory_space<vmem>>, vector<16xf32>,
        %add3A_397 = arith.constant 20480 : i32
        %add3A_398 = arith.addi %add3A_397, %add3A_376 : i32
        %get3A_399 = arith.index_cast %add3A_398 : i32 to index
        %get3A_400 = tpu.vector_load %arg10[%get3A_399] {strides = array<i32>} : memref<28672xf32, #tpu.memory_space<vmem>>, vector<16xf32>,
        %add3A_401 = arith.constant 24576 : i32
        %add3A_402 = arith.addi %add3A_401, %add3A_376 : i32
        %get3A_403 = arith.index_cast %add3A_402 : i32 to index
        %get3A_404 = tpu.vector_load %arg10[%get3A_403] {strides = array<i32>} : memref<28672xf32, #tpu.memory_space<vmem>>, vector<16xf32>,
        %ge3A_405 = arith.cmpf oge, %get3A_384, %get3A_396 : vector<16xf32>
        %lt3A_406 = arith.cmpf olt, %get3A_384, %get3A_400 : vector<16xf32>
        %and3A_407 = arith.andi %ge3A_405, %lt3A_406 : vector<16xi1>
        %sub3A_408 = arith.subf %get3A_384, %get3A_392 : vector<16xf32>
        %mul3A_409 = arith.mulf %sub3A_408, %get3A_404 : vector<16xf32>
        %add3A_410 = arith.addf %get3A_388, %mul3A_409 : vector<16xf32>
        %ge3A_411 = arith.cmpf oge, %add3A_410, %get3A_380 : vector<16xf32>
        %and3A_412 = arith.andi %and3A_407, %ge3A_411 : vector<16xi1>
        %jit3A_413 = arith.constant 1 : i32
        %jit3A_414 = arith.constant 0 : i32
        %broadcast_in_dim3A_415 = vector.broadcast %jit3A_413 : i32 to vector<16xi32>
        %broadcast_in_dim3A_416 = vector.broadcast %jit3A_414 : i32 to vector<16xi32>
        %select_n3A_417 = arith.select %and3A_412, %broadcast_in_dim3A_415, %broadcast_in_dim3A_416 : vector<16xi1>, vector<16xi32>
        %add3A_418 = arith.addi %add3A_374, %select_n3A_417 : vector<16xi32>
        %add3A_419 = arith.constant 64 : i32
        %add3A_420 = arith.addi %mul3A_246, %add3A_419 : i32
        %add3A_421 = arith.constant 0 : i32
        %add3A_422 = arith.addi %add3A_421, %add3A_420 : i32
        %get3A_423 = arith.index_cast %add3A_422 : i32 to index
        %get3A_424 = tpu.vector_load %arg10[%get3A_423] {strides = array<i32>} : memref<28672xf32, #tpu.memory_space<vmem>>, vector<16xf32>,
        %add3A_425 = arith.constant 4096 : i32
        %add3A_426 = arith.addi %add3A_425, %add3A_420 : i32
        %get3A_427 = arith.index_cast %add3A_426 : i32 to index
        %get3A_428 = tpu.vector_load %arg10[%get3A_427] {strides = array<i32>} : memref<28672xf32, #tpu.memory_space<vmem>>, vector<16xf32>,
        %add3A_429 = arith.constant 8192 : i32
        %add3A_430 = arith.addi %add3A_429, %add3A_420 : i32
        %get3A_431 = arith.index_cast %add3A_430 : i32 to index
        %get3A_432 = tpu.vector_load %arg10[%get3A_431] {strides = array<i32>} : memref<28672xf32, #tpu.memory_space<vmem>>, vector<16xf32>,
        %add3A_433 = arith.constant 12288 : i32
        %add3A_434 = arith.addi %add3A_433, %add3A_420 : i32
        %get3A_435 = arith.index_cast %add3A_434 : i32 to index
        %get3A_436 = tpu.vector_load %arg10[%get3A_435] {strides = array<i32>} : memref<28672xf32, #tpu.memory_space<vmem>>, vector<16xf32>,
        %add3A_437 = arith.constant 16384 : i32
        %add3A_438 = arith.addi %add3A_437, %add3A_420 : i32
        %get3A_439 = arith.index_cast %add3A_438 : i32 to index
        %get3A_440 = tpu.vector_load %arg10[%get3A_439] {strides = array<i32>} : memref<28672xf32, #tpu.memory_space<vmem>>, vector<16xf32>,
        %add3A_441 = arith.constant 20480 : i32
        %add3A_442 = arith.addi %add3A_441, %add3A_420 : i32
        %get3A_443 = arith.index_cast %add3A_442 : i32 to index
        %get3A_444 = tpu.vector_load %arg10[%get3A_443] {strides = array<i32>} : memref<28672xf32, #tpu.memory_space<vmem>>, vector<16xf32>,
        %add3A_445 = arith.constant 24576 : i32
        %add3A_446 = arith.addi %add3A_445, %add3A_420 : i32
        %get3A_447 = arith.index_cast %add3A_446 : i32 to index
        %get3A_448 = tpu.vector_load %arg10[%get3A_447] {strides = array<i32>} : memref<28672xf32, #tpu.memory_space<vmem>>, vector<16xf32>,
        %ge3A_449 = arith.cmpf oge, %get3A_428, %get3A_440 : vector<16xf32>
        %lt3A_450 = arith.cmpf olt, %get3A_428, %get3A_444 : vector<16xf32>
        %and3A_451 = arith.andi %ge3A_449, %lt3A_450 : vector<16xi1>
        %sub3A_452 = arith.subf %get3A_428, %get3A_436 : vector<16xf32>
        %mul3A_453 = arith.mulf %sub3A_452, %get3A_448 : vector<16xf32>
        %add3A_454 = arith.addf %get3A_432, %mul3A_453 : vector<16xf32>
        %ge3A_455 = arith.cmpf oge, %add3A_454, %get3A_424 : vector<16xf32>
        %and3A_456 = arith.andi %and3A_451, %ge3A_455 : vector<16xi1>
        %jit3A_457 = arith.constant 1 : i32
        %jit3A_458 = arith.constant 0 : i32
        %broadcast_in_dim3A_459 = vector.broadcast %jit3A_457 : i32 to vector<16xi32>
        %broadcast_in_dim3A_460 = vector.broadcast %jit3A_458 : i32 to vector<16xi32>
        %select_n3A_461 = arith.select %and3A_456, %broadcast_in_dim3A_459, %broadcast_in_dim3A_460 : vector<16xi1>, vector<16xi32>
        %add3A_462 = arith.addi %add3A_418, %select_n3A_461 : vector<16xi32>
        %add3A_463 = arith.constant 80 : i32
        %add3A_464 = arith.addi %mul3A_246, %add3A_463 : i32
        %add3A_465 = arith.constant 0 : i32
        %add3A_466 = arith.addi %add3A_465, %add3A_464 : i32
        %get3A_467 = arith.index_cast %add3A_466 : i32 to index
        %get3A_468 = tpu.vector_load %arg10[%get3A_467] {strides = array<i32>} : memref<28672xf32, #tpu.memory_space<vmem>>, vector<16xf32>,
        %add3A_469 = arith.constant 4096 : i32
        %add3A_470 = arith.addi %add3A_469, %add3A_464 : i32
        %get3A_471 = arith.index_cast %add3A_470 : i32 to index
        %get3A_472 = tpu.vector_load %arg10[%get3A_471] {strides = array<i32>} : memref<28672xf32, #tpu.memory_space<vmem>>, vector<16xf32>,
        %add3A_473 = arith.constant 8192 : i32
        %add3A_474 = arith.addi %add3A_473, %add3A_464 : i32
        %get3A_475 = arith.index_cast %add3A_474 : i32 to index
        %get3A_476 = tpu.vector_load %arg10[%get3A_475] {strides = array<i32>} : memref<28672xf32, #tpu.memory_space<vmem>>, vector<16xf32>,
        %add3A_477 = arith.constant 12288 : i32
        %add3A_478 = arith.addi %add3A_477, %add3A_464 : i32
        %get3A_479 = arith.index_cast %add3A_478 : i32 to index
        %get3A_480 = tpu.vector_load %arg10[%get3A_479] {strides = array<i32>} : memref<28672xf32, #tpu.memory_space<vmem>>, vector<16xf32>,
        %add3A_481 = arith.constant 16384 : i32
        %add3A_482 = arith.addi %add3A_481, %add3A_464 : i32
        %get3A_483 = arith.index_cast %add3A_482 : i32 to index
        %get3A_484 = tpu.vector_load %arg10[%get3A_483] {strides = array<i32>} : memref<28672xf32, #tpu.memory_space<vmem>>, vector<16xf32>,
        %add3A_485 = arith.constant 20480 : i32
        %add3A_486 = arith.addi %add3A_485, %add3A_464 : i32
        %get3A_487 = arith.index_cast %add3A_486 : i32 to index
        %get3A_488 = tpu.vector_load %arg10[%get3A_487] {strides = array<i32>} : memref<28672xf32, #tpu.memory_space<vmem>>, vector<16xf32>,
        %add3A_489 = arith.constant 24576 : i32
        %add3A_490 = arith.addi %add3A_489, %add3A_464 : i32
        %get3A_491 = arith.index_cast %add3A_490 : i32 to index
        %get3A_492 = tpu.vector_load %arg10[%get3A_491] {strides = array<i32>} : memref<28672xf32, #tpu.memory_space<vmem>>, vector<16xf32>,
        %ge3A_493 = arith.cmpf oge, %get3A_472, %get3A_484 : vector<16xf32>
        %lt3A_494 = arith.cmpf olt, %get3A_472, %get3A_488 : vector<16xf32>
        %and3A_495 = arith.andi %ge3A_493, %lt3A_494 : vector<16xi1>
        %sub3A_496 = arith.subf %get3A_472, %get3A_480 : vector<16xf32>
        %mul3A_497 = arith.mulf %sub3A_496, %get3A_492 : vector<16xf32>
        %add3A_498 = arith.addf %get3A_476, %mul3A_497 : vector<16xf32>
        %ge3A_499 = arith.cmpf oge, %add3A_498, %get3A_468 : vector<16xf32>
        %and3A_500 = arith.andi %and3A_495, %ge3A_499 : vector<16xi1>
        %jit3A_501 = arith.constant 1 : i32
        %jit3A_502 = arith.constant 0 : i32
        %broadcast_in_dim3A_503 = vector.broadcast %jit3A_501 : i32 to vector<16xi32>
        %broadcast_in_dim3A_504 = vector.broadcast %jit3A_502 : i32 to vector<16xi32>
        %select_n3A_505 = arith.select %and3A_500, %broadcast_in_dim3A_503, %broadcast_in_dim3A_504 : vector<16xi1>, vector<16xi32>
        %add3A_506 = arith.addi %add3A_462, %select_n3A_505 : vector<16xi32>
        %add3A_507 = arith.constant 96 : i32
        %add3A_508 = arith.addi %mul3A_246, %add3A_507 : i32
        %add3A_509 = arith.constant 0 : i32
        %add3A_510 = arith.addi %add3A_509, %add3A_508 : i32
        %get3A_511 = arith.index_cast %add3A_510 : i32 to index
        %get3A_512 = tpu.vector_load %arg10[%get3A_511] {strides = array<i32>} : memref<28672xf32, #tpu.memory_space<vmem>>, vector<16xf32>,
        %add3A_513 = arith.constant 4096 : i32
        %add3A_514 = arith.addi %add3A_513, %add3A_508 : i32
        %get3A_515 = arith.index_cast %add3A_514 : i32 to index
        %get3A_516 = tpu.vector_load %arg10[%get3A_515] {strides = array<i32>} : memref<28672xf32, #tpu.memory_space<vmem>>, vector<16xf32>,
        %add3A_517 = arith.constant 8192 : i32
        %add3A_518 = arith.addi %add3A_517, %add3A_508 : i32
        %get3A_519 = arith.index_cast %add3A_518 : i32 to index
        %get3A_520 = tpu.vector_load %arg10[%get3A_519] {strides = array<i32>} : memref<28672xf32, #tpu.memory_space<vmem>>, vector<16xf32>,
        %add3A_521 = arith.constant 12288 : i32
        %add3A_522 = arith.addi %add3A_521, %add3A_508 : i32
        %get3A_523 = arith.index_cast %add3A_522 : i32 to index
        %get3A_524 = tpu.vector_load %arg10[%get3A_523] {strides = array<i32>} : memref<28672xf32, #tpu.memory_space<vmem>>, vector<16xf32>,
        %add3A_525 = arith.constant 16384 : i32
        %add3A_526 = arith.addi %add3A_525, %add3A_508 : i32
        %get3A_527 = arith.index_cast %add3A_526 : i32 to index
        %get3A_528 = tpu.vector_load %arg10[%get3A_527] {strides = array<i32>} : memref<28672xf32, #tpu.memory_space<vmem>>, vector<16xf32>,
        %add3A_529 = arith.constant 20480 : i32
        %add3A_530 = arith.addi %add3A_529, %add3A_508 : i32
        %get3A_531 = arith.index_cast %add3A_530 : i32 to index
        %get3A_532 = tpu.vector_load %arg10[%get3A_531] {strides = array<i32>} : memref<28672xf32, #tpu.memory_space<vmem>>, vector<16xf32>,
        %add3A_533 = arith.constant 24576 : i32
        %add3A_534 = arith.addi %add3A_533, %add3A_508 : i32
        %get3A_535 = arith.index_cast %add3A_534 : i32 to index
        %get3A_536 = tpu.vector_load %arg10[%get3A_535] {strides = array<i32>} : memref<28672xf32, #tpu.memory_space<vmem>>, vector<16xf32>,
        %ge3A_537 = arith.cmpf oge, %get3A_516, %get3A_528 : vector<16xf32>
        %lt3A_538 = arith.cmpf olt, %get3A_516, %get3A_532 : vector<16xf32>
        %and3A_539 = arith.andi %ge3A_537, %lt3A_538 : vector<16xi1>
        %sub3A_540 = arith.subf %get3A_516, %get3A_524 : vector<16xf32>
        %mul3A_541 = arith.mulf %sub3A_540, %get3A_536 : vector<16xf32>
        %add3A_542 = arith.addf %get3A_520, %mul3A_541 : vector<16xf32>
        %ge3A_543 = arith.cmpf oge, %add3A_542, %get3A_512 : vector<16xf32>
        %and3A_544 = arith.andi %and3A_539, %ge3A_543 : vector<16xi1>
        %jit3A_545 = arith.constant 1 : i32
        %jit3A_546 = arith.constant 0 : i32
        %broadcast_in_dim3A_547 = vector.broadcast %jit3A_545 : i32 to vector<16xi32>
        %broadcast_in_dim3A_548 = vector.broadcast %jit3A_546 : i32 to vector<16xi32>
        %select_n3A_549 = arith.select %and3A_544, %broadcast_in_dim3A_547, %broadcast_in_dim3A_548 : vector<16xi1>, vector<16xi32>
        %add3A_550 = arith.addi %add3A_506, %select_n3A_549 : vector<16xi32>
        %add3A_551 = arith.constant 112 : i32
        %add3A_552 = arith.addi %mul3A_246, %add3A_551 : i32
        %add3A_553 = arith.constant 0 : i32
        %add3A_554 = arith.addi %add3A_553, %add3A_552 : i32
        %get3A_555 = arith.index_cast %add3A_554 : i32 to index
        %get3A_556 = tpu.vector_load %arg10[%get3A_555] {strides = array<i32>} : memref<28672xf32, #tpu.memory_space<vmem>>, vector<16xf32>,
        %add3A_557 = arith.constant 4096 : i32
        %add3A_558 = arith.addi %add3A_557, %add3A_552 : i32
        %get3A_559 = arith.index_cast %add3A_558 : i32 to index
        %get3A_560 = tpu.vector_load %arg10[%get3A_559] {strides = array<i32>} : memref<28672xf32, #tpu.memory_space<vmem>>, vector<16xf32>,
        %add3A_561 = arith.constant 8192 : i32
        %add3A_562 = arith.addi %add3A_561, %add3A_552 : i32
        %get3A_563 = arith.index_cast %add3A_562 : i32 to index
        %get3A_564 = tpu.vector_load %arg10[%get3A_563] {strides = array<i32>} : memref<28672xf32, #tpu.memory_space<vmem>>, vector<16xf32>,
        %add3A_565 = arith.constant 12288 : i32
        %add3A_566 = arith.addi %add3A_565, %add3A_552 : i32
        %get3A_567 = arith.index_cast %add3A_566 : i32 to index
        %get3A_568 = tpu.vector_load %arg10[%get3A_567] {strides = array<i32>} : memref<28672xf32, #tpu.memory_space<vmem>>, vector<16xf32>,
        %add3A_569 = arith.constant 16384 : i32
        %add3A_570 = arith.addi %add3A_569, %add3A_552 : i32
        %get3A_571 = arith.index_cast %add3A_570 : i32 to index
        %get3A_572 = tpu.vector_load %arg10[%get3A_571] {strides = array<i32>} : memref<28672xf32, #tpu.memory_space<vmem>>, vector<16xf32>,
        %add3A_573 = arith.constant 20480 : i32
        %add3A_574 = arith.addi %add3A_573, %add3A_552 : i32
        %get3A_575 = arith.index_cast %add3A_574 : i32 to index
        %get3A_576 = tpu.vector_load %arg10[%get3A_575] {strides = array<i32>} : memref<28672xf32, #tpu.memory_space<vmem>>, vector<16xf32>,
        %add3A_577 = arith.constant 24576 : i32
        %add3A_578 = arith.addi %add3A_577, %add3A_552 : i32
        %get3A_579 = arith.index_cast %add3A_578 : i32 to index
        %get3A_580 = tpu.vector_load %arg10[%get3A_579] {strides = array<i32>} : memref<28672xf32, #tpu.memory_space<vmem>>, vector<16xf32>,
        %ge3A_581 = arith.cmpf oge, %get3A_560, %get3A_572 : vector<16xf32>
        %lt3A_582 = arith.cmpf olt, %get3A_560, %get3A_576 : vector<16xf32>
        %and3A_583 = arith.andi %ge3A_581, %lt3A_582 : vector<16xi1>
        %sub3A_584 = arith.subf %get3A_560, %get3A_568 : vector<16xf32>
        %mul3A_585 = arith.mulf %sub3A_584, %get3A_580 : vector<16xf32>
        %add3A_586 = arith.addf %get3A_564, %mul3A_585 : vector<16xf32>
        %ge3A_587 = arith.cmpf oge, %add3A_586, %get3A_556 : vector<16xf32>
        %and3A_588 = arith.andi %and3A_583, %ge3A_587 : vector<16xi1>
        %jit3A_589 = arith.constant 1 : i32
        %jit3A_590 = arith.constant 0 : i32
        %broadcast_in_dim3A_591 = vector.broadcast %jit3A_589 : i32 to vector<16xi32>
        %broadcast_in_dim3A_592 = vector.broadcast %jit3A_590 : i32 to vector<16xi32>
        %select_n3A_593 = arith.select %and3A_588, %broadcast_in_dim3A_591, %broadcast_in_dim3A_592 : vector<16xi1>, vector<16xi32>
        %add3A_594 = arith.addi %add3A_550, %select_n3A_593 : vector<16xi32>
        %reduce_sum3A = arith.constant true
        %reduce_sum3A_595 = vector.broadcast %reduce_sum3A : i1 to vector<16xi1>
        %reduce_sum3A_596 = tpu.scan <sum>, %add3A_594 masked %reduce_sum3A_595 : vector<16xi32>, vector<16xi1> -> vector<16xi32>
        %reduce_sum3A_597 = vector.extract %reduce_sum3A_596[15] : i32 from vector<16xi32>
        %eq3A = arith.constant 1 : i32
        %eq3A_598 = arith.cmpi eq, %reduce_sum3A_597, %eq3A : i32
        %jit3A_599 = arith.constant 1 : i32
        %jit3A_600 = arith.constant 0 : i32
        %select_n3A_601 = arith.select %eq3A_598, %jit3A_599, %jit3A_600 : i32
        %and3A_602 = arith.constant 15 : i32
        %and3A_603 = arith.andi %scan3A_243, %and3A_602 : i32
        %eq3A_604 = vector.broadcast %and3A_603 : i32 to vector<16xi32>
        %eq3A_605 = arith.cmpi eq, %iota3A, %eq3A_604 : vector<16xi32>
        %broadcast_in_dim3A_606 = vector.broadcast %select_n3A_601 : i32 to vector<16xi32>
        %select_n3A_607 = arith.select %eq3A_605, %broadcast_in_dim3A_606, %scan3A_244 : vector<16xi1>, vector<16xi32>
        %and3A_608 = arith.constant 15 : i32
        %and3A_609 = arith.andi %scan3A_243, %and3A_608 : i32
        %eq3A_610 = arith.constant 15 : i32
        %eq3A_611 = arith.cmpi eq, %and3A_609, %eq3A_610 : i32
        %convert_element_type3A_612 = arith.extui %eq3A_611 : i1 to i32
        %cond3A_613 = arith.constant 0 : i32
        %cond3A_614 = arith.cmpi ne, %convert_element_type3A_612, %cond3A_613 : i32
        scf.if %cond3A_614 {
          %mul3A_615 = arith.constant 32 : i32
          %mul3A_616 = arith.muli %add3A_101, %mul3A_615 : i32
          %and3A_617 = arith.constant -16 : i32
          %and3A_618 = arith.andi %scan3A_243, %and3A_617 : i32
          %add3A_619 = arith.addi %mul3A_616, %and3A_618 : i32
          %swap3A = arith.index_cast %add3A_619 : i32 to index
          %swap3A_620 = tpu.vector_load %arg12[%swap3A] {strides = array<i32>} : memref<256xi32, #tpu.memory_space<vmem>>, vector<16xi32>,
          tpu.vector_store %arg12[%swap3A], %select_n3A_607 {strides = array<i32>} : memref<256xi32, #tpu.memory_space<vmem>>, vector<16xi32>,
        } else {
        }
        scf.yield %select_n3A_607 : vector<16xi32>
      }
      %scan3A_163 = arith.constant 32 : i32
      %add3A_164 = arith.constant 2 : i32
      %add3A_165 = arith.addi %add3A_101, %add3A_164 : i32
      %lt3A = arith.constant 8 : i32
      %lt3A_166 = arith.cmpi slt, %add3A_165, %lt3A : i32
      %convert_element_type3A = arith.extui %lt3A_166 : i1 to i32
      %cond3A = arith.constant 0 : i32
      %cond3A_167 = arith.cmpi ne, %convert_element_type3A, %cond3A : i32
      scf.if %cond3A_167 {
        %add3A_243 = arith.constant 2 : i32
        %add3A_244 = arith.addi %add3A_101, %add3A_243 : i32
        %mul3A_245 = arith.constant 4096 : i32
        %mul3A_246 = arith.muli %add3A_244, %mul3A_245 : i32
        %add3A_247 = arith.addi %mul3A_2, %mul3A_246 : i32
        %dma_start3A_248 = arith.constant 0 : i32
        %dma_start3A_249 = tpu.memref_slice %arg10[%dma_start3A_248] : memref<28672xf32, #tpu.memory_space<vmem>> -> memref<4096xf32, #tpu.memory_space<vmem>>
        %dma_start3A_250 = tpu.memref_slice %arg2[%add3A_247] : memref<1048576xf32, #tpu.memory_space<hbm>> -> memref<4096xf32, #tpu.memory_space<hbm>>
        %dma_start3A_251 = arith.constant 0 : i32
        %dma_start3A_252 = tpu.memref_slice %arg10[%dma_start3A_251] : memref<28672xf32, #tpu.memory_space<vmem>> -> memref<4096xf32, #tpu.memory_space<vmem>>
        %dma_start3A_253 = tpu.memref_slice %arg2[%add3A_247] : memref<1048576xf32, #tpu.memory_space<hbm>> -> memref<4096xf32, #tpu.memory_space<hbm>>
        tpu.enqueue_dma source(%dma_start3A_253 : memref<4096xf32, #tpu.memory_space<hbm>>) target(%dma_start3A_252 : memref<4096xf32, #tpu.memory_space<vmem>>) target_semaphore(%arg13 : memref<!tpu.dma_semaphore, #tpu.memory_space<semaphore_mem>>)
        %dma_start3A_254 = arith.constant 4096 : i32
        %dma_start3A_255 = tpu.memref_slice %arg10[%dma_start3A_254] : memref<28672xf32, #tpu.memory_space<vmem>> -> memref<4096xf32, #tpu.memory_space<vmem>>
        %dma_start3A_256 = tpu.memref_slice %arg3[%add3A_247] : memref<1048576xf32, #tpu.memory_space<hbm>> -> memref<4096xf32, #tpu.memory_space<hbm>>
        %dma_start3A_257 = arith.constant 4096 : i32
        %dma_start3A_258 = tpu.memref_slice %arg10[%dma_start3A_257] : memref<28672xf32, #tpu.memory_space<vmem>> -> memref<4096xf32, #tpu.memory_space<vmem>>
        %dma_start3A_259 = tpu.memref_slice %arg3[%add3A_247] : memref<1048576xf32, #tpu.memory_space<hbm>> -> memref<4096xf32, #tpu.memory_space<hbm>>
        tpu.enqueue_dma source(%dma_start3A_259 : memref<4096xf32, #tpu.memory_space<hbm>>) target(%dma_start3A_258 : memref<4096xf32, #tpu.memory_space<vmem>>) target_semaphore(%arg13 : memref<!tpu.dma_semaphore, #tpu.memory_space<semaphore_mem>>)
        %dma_start3A_260 = arith.constant 8192 : i32
        %dma_start3A_261 = tpu.memref_slice %arg10[%dma_start3A_260] : memref<28672xf32, #tpu.memory_space<vmem>> -> memref<4096xf32, #tpu.memory_space<vmem>>
        %dma_start3A_262 = tpu.memref_slice %arg4[%add3A_247] : memref<1048576xf32, #tpu.memory_space<hbm>> -> memref<4096xf32, #tpu.memory_space<hbm>>
        %dma_start3A_263 = arith.constant 8192 : i32
        %dma_start3A_264 = tpu.memref_slice %arg10[%dma_start3A_263] : memref<28672xf32, #tpu.memory_space<vmem>> -> memref<4096xf32, #tpu.memory_space<vmem>>
        %dma_start3A_265 = tpu.memref_slice %arg4[%add3A_247] : memref<1048576xf32, #tpu.memory_space<hbm>> -> memref<4096xf32, #tpu.memory_space<hbm>>
        tpu.enqueue_dma source(%dma_start3A_265 : memref<4096xf32, #tpu.memory_space<hbm>>) target(%dma_start3A_264 : memref<4096xf32, #tpu.memory_space<vmem>>) target_semaphore(%arg13 : memref<!tpu.dma_semaphore, #tpu.memory_space<semaphore_mem>>)
        %dma_start3A_266 = arith.constant 12288 : i32
        %dma_start3A_267 = tpu.memref_slice %arg10[%dma_start3A_266] : memref<28672xf32, #tpu.memory_space<vmem>> -> memref<4096xf32, #tpu.memory_space<vmem>>
        %dma_start3A_268 = tpu.memref_slice %arg5[%add3A_247] : memref<1048576xf32, #tpu.memory_space<hbm>> -> memref<4096xf32, #tpu.memory_space<hbm>>
        %dma_start3A_269 = arith.constant 12288 : i32
        %dma_start3A_270 = tpu.memref_slice %arg10[%dma_start3A_269] : memref<28672xf32, #tpu.memory_space<vmem>> -> memref<4096xf32, #tpu.memory_space<vmem>>
        %dma_start3A_271 = tpu.memref_slice %arg5[%add3A_247] : memref<1048576xf32, #tpu.memory_space<hbm>> -> memref<4096xf32, #tpu.memory_space<hbm>>
        tpu.enqueue_dma source(%dma_start3A_271 : memref<4096xf32, #tpu.memory_space<hbm>>) target(%dma_start3A_270 : memref<4096xf32, #tpu.memory_space<vmem>>) target_semaphore(%arg13 : memref<!tpu.dma_semaphore, #tpu.memory_space<semaphore_mem>>)
        %dma_start3A_272 = arith.constant 16384 : i32
        %dma_start3A_273 = tpu.memref_slice %arg10[%dma_start3A_272] : memref<28672xf32, #tpu.memory_space<vmem>> -> memref<4096xf32, #tpu.memory_space<vmem>>
        %dma_start3A_274 = tpu.memref_slice %arg6[%add3A_247] : memref<1048576xf32, #tpu.memory_space<hbm>> -> memref<4096xf32, #tpu.memory_space<hbm>>
        %dma_start3A_275 = arith.constant 16384 : i32
        %dma_start3A_276 = tpu.memref_slice %arg10[%dma_start3A_275] : memref<28672xf32, #tpu.memory_space<vmem>> -> memref<4096xf32, #tpu.memory_space<vmem>>
        %dma_start3A_277 = tpu.memref_slice %arg6[%add3A_247] : memref<1048576xf32, #tpu.memory_space<hbm>> -> memref<4096xf32, #tpu.memory_space<hbm>>
        tpu.enqueue_dma source(%dma_start3A_277 : memref<4096xf32, #tpu.memory_space<hbm>>) target(%dma_start3A_276 : memref<4096xf32, #tpu.memory_space<vmem>>) target_semaphore(%arg13 : memref<!tpu.dma_semaphore, #tpu.memory_space<semaphore_mem>>)
        %dma_start3A_278 = arith.constant 20480 : i32
        %dma_start3A_279 = tpu.memref_slice %arg10[%dma_start3A_278] : memref<28672xf32, #tpu.memory_space<vmem>> -> memref<4096xf32, #tpu.memory_space<vmem>>
        %dma_start3A_280 = tpu.memref_slice %arg7[%add3A_247] : memref<1048576xf32, #tpu.memory_space<hbm>> -> memref<4096xf32, #tpu.memory_space<hbm>>
        %dma_start3A_281 = arith.constant 20480 : i32
        %dma_start3A_282 = tpu.memref_slice %arg10[%dma_start3A_281] : memref<28672xf32, #tpu.memory_space<vmem>> -> memref<4096xf32, #tpu.memory_space<vmem>>
        %dma_start3A_283 = tpu.memref_slice %arg7[%add3A_247] : memref<1048576xf32, #tpu.memory_space<hbm>> -> memref<4096xf32, #tpu.memory_space<hbm>>
        tpu.enqueue_dma source(%dma_start3A_283 : memref<4096xf32, #tpu.memory_space<hbm>>) target(%dma_start3A_282 : memref<4096xf32, #tpu.memory_space<vmem>>) target_semaphore(%arg13 : memref<!tpu.dma_semaphore, #tpu.memory_space<semaphore_mem>>)
        %dma_start3A_284 = arith.constant 24576 : i32
        %dma_start3A_285 = tpu.memref_slice %arg10[%dma_start3A_284] : memref<28672xf32, #tpu.memory_space<vmem>> -> memref<4096xf32, #tpu.memory_space<vmem>>
        %dma_start3A_286 = tpu.memref_slice %arg8[%add3A_247] : memref<1048576xf32, #tpu.memory_space<hbm>> -> memref<4096xf32, #tpu.memory_space<hbm>>
        %dma_start3A_287 = arith.constant 24576 : i32
        %dma_start3A_288 = tpu.memref_slice %arg10[%dma_start3A_287] : memref<28672xf32, #tpu.memory_space<vmem>> -> memref<4096xf32, #tpu.memory_space<vmem>>
        %dma_start3A_289 = tpu.memref_slice %arg8[%add3A_247] : memref<1048576xf32, #tpu.memory_space<hbm>> -> memref<4096xf32, #tpu.memory_space<hbm>>
        tpu.enqueue_dma source(%dma_start3A_289 : memref<4096xf32, #tpu.memory_space<hbm>>) target(%dma_start3A_288 : memref<4096xf32, #tpu.memory_space<vmem>>) target_semaphore(%arg13 : memref<!tpu.dma_semaphore, #tpu.memory_space<semaphore_mem>>)
      } else {
      }
      %mul3A_168 = arith.constant 2 : i32
      %mul3A_169 = arith.muli %scan3A_97, %mul3A_168 : i32
      %add3A_170 = arith.constant 1 : i32
      %add3A_171 = arith.addi %mul3A_169, %add3A_170 : i32
      %dma_wait3A_172 = arith.constant 0 : i32
      %dma_wait3A_173 = tpu.memref_slice %arg11[%dma_wait3A_172] : memref<28672xf32, #tpu.memory_space<vmem>> -> memref<4096xf32, #tpu.memory_space<vmem>>
      %dma_wait3A_174 = arith.constant 0 : i32
      %dma_wait3A_175 = tpu.memref_slice %arg2[%dma_wait3A_174] : memref<1048576xf32, #tpu.memory_space<hbm>> -> memref<4096xf32, #tpu.memory_space<hbm>>
      %dma_wait3A_176 = arith.constant 0 : i32
      %dma_wait3A_177 = tpu.memref_slice %arg11[%dma_wait3A_176] : memref<28672xf32, #tpu.memory_space<vmem>> -> memref<4096xf32, #tpu.memory_space<vmem>>
      %dma_wait3A_178 = arith.constant 0 : i32
      %dma_wait3A_179 = tpu.memref_slice %arg2[%dma_wait3A_178] : memref<1048576xf32, #tpu.memory_space<hbm>> -> memref<4096xf32, #tpu.memory_space<hbm>>
      tpu.wait_dma2 semaphore(%arg14 : memref<!tpu.dma_semaphore, #tpu.memory_space<semaphore_mem>>) src(%dma_wait3A_179 : memref<4096xf32, #tpu.memory_space<hbm>>) dst(%dma_wait3A_177 : memref<4096xf32, #tpu.memory_space<vmem>>)
      %dma_wait3A_180 = arith.constant 4096 : i32
      %dma_wait3A_181 = tpu.memref_slice %arg11[%dma_wait3A_180] : memref<28672xf32, #tpu.memory_space<vmem>> -> memref<4096xf32, #tpu.memory_space<vmem>>
      %dma_wait3A_182 = arith.constant 0 : i32
      %dma_wait3A_183 = tpu.memref_slice %arg3[%dma_wait3A_182] : memref<1048576xf32, #tpu.memory_space<hbm>> -> memref<4096xf32, #tpu.memory_space<hbm>>
      %dma_wait3A_184 = arith.constant 4096 : i32
      %dma_wait3A_185 = tpu.memref_slice %arg11[%dma_wait3A_184] : memref<28672xf32, #tpu.memory_space<vmem>> -> memref<4096xf32, #tpu.memory_space<vmem>>
      %dma_wait3A_186 = arith.constant 0 : i32
      %dma_wait3A_187 = tpu.memref_slice %arg3[%dma_wait3A_186] : memref<1048576xf32, #tpu.memory_space<hbm>> -> memref<4096xf32, #tpu.memory_space<hbm>>
      tpu.wait_dma2 semaphore(%arg14 : memref<!tpu.dma_semaphore, #tpu.memory_space<semaphore_mem>>) src(%dma_wait3A_187 : memref<4096xf32, #tpu.memory_space<hbm>>) dst(%dma_wait3A_185 : memref<4096xf32, #tpu.memory_space<vmem>>)
      %dma_wait3A_188 = arith.constant 8192 : i32
      %dma_wait3A_189 = tpu.memref_slice %arg11[%dma_wait3A_188] : memref<28672xf32, #tpu.memory_space<vmem>> -> memref<4096xf32, #tpu.memory_space<vmem>>
      %dma_wait3A_190 = arith.constant 0 : i32
      %dma_wait3A_191 = tpu.memref_slice %arg4[%dma_wait3A_190] : memref<1048576xf32, #tpu.memory_space<hbm>> -> memref<4096xf32, #tpu.memory_space<hbm>>
      %dma_wait3A_192 = arith.constant 8192 : i32
      %dma_wait3A_193 = tpu.memref_slice %arg11[%dma_wait3A_192] : memref<28672xf32, #tpu.memory_space<vmem>> -> memref<4096xf32, #tpu.memory_space<vmem>>
      %dma_wait3A_194 = arith.constant 0 : i32
      %dma_wait3A_195 = tpu.memref_slice %arg4[%dma_wait3A_194] : memref<1048576xf32, #tpu.memory_space<hbm>> -> memref<4096xf32, #tpu.memory_space<hbm>>
      tpu.wait_dma2 semaphore(%arg14 : memref<!tpu.dma_semaphore, #tpu.memory_space<semaphore_mem>>) src(%dma_wait3A_195 : memref<4096xf32, #tpu.memory_space<hbm>>) dst(%dma_wait3A_193 : memref<4096xf32, #tpu.memory_space<vmem>>)
      %dma_wait3A_196 = arith.constant 12288 : i32
      %dma_wait3A_197 = tpu.memref_slice %arg11[%dma_wait3A_196] : memref<28672xf32, #tpu.memory_space<vmem>> -> memref<4096xf32, #tpu.memory_space<vmem>>
      %dma_wait3A_198 = arith.constant 0 : i32
      %dma_wait3A_199 = tpu.memref_slice %arg5[%dma_wait3A_198] : memref<1048576xf32, #tpu.memory_space<hbm>> -> memref<4096xf32, #tpu.memory_space<hbm>>
      %dma_wait3A_200 = arith.constant 12288 : i32
      %dma_wait3A_201 = tpu.memref_slice %arg11[%dma_wait3A_200] : memref<28672xf32, #tpu.memory_space<vmem>> -> memref<4096xf32, #tpu.memory_space<vmem>>
      %dma_wait3A_202 = arith.constant 0 : i32
      %dma_wait3A_203 = tpu.memref_slice %arg5[%dma_wait3A_202] : memref<1048576xf32, #tpu.memory_space<hbm>> -> memref<4096xf32, #tpu.memory_space<hbm>>
      tpu.wait_dma2 semaphore(%arg14 : memref<!tpu.dma_semaphore, #tpu.memory_space<semaphore_mem>>) src(%dma_wait3A_203 : memref<4096xf32, #tpu.memory_space<hbm>>) dst(%dma_wait3A_201 : memref<4096xf32, #tpu.memory_space<vmem>>)
      %dma_wait3A_204 = arith.constant 16384 : i32
      %dma_wait3A_205 = tpu.memref_slice %arg11[%dma_wait3A_204] : memref<28672xf32, #tpu.memory_space<vmem>> -> memref<4096xf32, #tpu.memory_space<vmem>>
      %dma_wait3A_206 = arith.constant 0 : i32
      %dma_wait3A_207 = tpu.memref_slice %arg6[%dma_wait3A_206] : memref<1048576xf32, #tpu.memory_space<hbm>> -> memref<4096xf32, #tpu.memory_space<hbm>>
      %dma_wait3A_208 = arith.constant 16384 : i32
      %dma_wait3A_209 = tpu.memref_slice %arg11[%dma_wait3A_208] : memref<28672xf32, #tpu.memory_space<vmem>> -> memref<4096xf32, #tpu.memory_space<vmem>>
      %dma_wait3A_210 = arith.constant 0 : i32
      %dma_wait3A_211 = tpu.memref_slice %arg6[%dma_wait3A_210] : memref<1048576xf32, #tpu.memory_space<hbm>> -> memref<4096xf32, #tpu.memory_space<hbm>>
      tpu.wait_dma2 semaphore(%arg14 : memref<!tpu.dma_semaphore, #tpu.memory_space<semaphore_mem>>) src(%dma_wait3A_211 : memref<4096xf32, #tpu.memory_space<hbm>>) dst(%dma_wait3A_209 : memref<4096xf32, #tpu.memory_space<vmem>>)
      %dma_wait3A_212 = arith.constant 20480 : i32
      %dma_wait3A_213 = tpu.memref_slice %arg11[%dma_wait3A_212] : memref<28672xf32, #tpu.memory_space<vmem>> -> memref<4096xf32, #tpu.memory_space<vmem>>
      %dma_wait3A_214 = arith.constant 0 : i32
      %dma_wait3A_215 = tpu.memref_slice %arg7[%dma_wait3A_214] : memref<1048576xf32, #tpu.memory_space<hbm>> -> memref<4096xf32, #tpu.memory_space<hbm>>
      %dma_wait3A_216 = arith.constant 20480 : i32
      %dma_wait3A_217 = tpu.memref_slice %arg11[%dma_wait3A_216] : memref<28672xf32, #tpu.memory_space<vmem>> -> memref<4096xf32, #tpu.memory_space<vmem>>
      %dma_wait3A_218 = arith.constant 0 : i32
      %dma_wait3A_219 = tpu.memref_slice %arg7[%dma_wait3A_218] : memref<1048576xf32, #tpu.memory_space<hbm>> -> memref<4096xf32, #tpu.memory_space<hbm>>
      tpu.wait_dma2 semaphore(%arg14 : memref<!tpu.dma_semaphore, #tpu.memory_space<semaphore_mem>>) src(%dma_wait3A_219 : memref<4096xf32, #tpu.memory_space<hbm>>) dst(%dma_wait3A_217 : memref<4096xf32, #tpu.memory_space<vmem>>)
      %dma_wait3A_220 = arith.constant 24576 : i32
      %dma_wait3A_221 = tpu.memref_slice %arg11[%dma_wait3A_220] : memref<28672xf32, #tpu.memory_space<vmem>> -> memref<4096xf32, #tpu.memory_space<vmem>>
      %dma_wait3A_222 = arith.constant 0 : i32
      %dma_wait3A_223 = tpu.memref_slice %arg8[%dma_wait3A_222] : memref<1048576xf32, #tpu.memory_space<hbm>> -> memref<4096xf32, #tpu.memory_space<hbm>>
      %dma_wait3A_224 = arith.constant 24576 : i32
      %dma_wait3A_225 = tpu.memref_slice %arg11[%dma_wait3A_224] : memref<28672xf32, #tpu.memory_space<vmem>> -> memref<4096xf32, #tpu.memory_space<vmem>>
      %dma_wait3A_226 = arith.constant 0 : i32
      %dma_wait3A_227 = tpu.memref_slice %arg8[%dma_wait3A_226] : memref<1048576xf32, #tpu.memory_space<hbm>> -> memref<4096xf32, #tpu.memory_space<hbm>>
      tpu.wait_dma2 semaphore(%arg14 : memref<!tpu.dma_semaphore, #tpu.memory_space<semaphore_mem>>) src(%dma_wait3A_227 : memref<4096xf32, #tpu.memory_space<hbm>>) dst(%dma_wait3A_225 : memref<4096xf32, #tpu.memory_space<vmem>>)
      %broadcast_in_dim3A_228 = arith.constant 0 : i32
      %broadcast_in_dim3A_229 = vector.broadcast %broadcast_in_dim3A_228 : i32 to vector<16xi32>
      %scan3A_230 = arith.constant 0 : i32
      %scan3A_231 = arith.constant 32 : i32
      %scan3A_232 = arith.addi %scan3A_230, %scan3A_231 : i32
      %scan3A_233 = arith.constant 1 : i32
      %scan3A_234 = scf.for %scan3A_243 = %scan3A_230 to %scan3A_232 step %scan3A_233 iter_args(%scan3A_244 = %broadcast_in_dim3A_229) -> (vector<16xi32>)  : i32 {
        %mul3A_245 = arith.constant 128 : i32
        %mul3A_246 = arith.muli %scan3A_243, %mul3A_245 : i32
        %broadcast_in_dim3A_247 = arith.constant 0 : i32
        %broadcast_in_dim3A_248 = vector.broadcast %broadcast_in_dim3A_247 : i32 to vector<16xi32>
        %add3A_249 = arith.constant 0 : i32
        %add3A_250 = arith.addi %mul3A_246, %add3A_249 : i32
        %add3A_251 = arith.constant 0 : i32
        %add3A_252 = arith.addi %add3A_251, %add3A_250 : i32
        %get3A = arith.index_cast %add3A_252 : i32 to index
        %get3A_253 = tpu.vector_load %arg11[%get3A] {strides = array<i32>} : memref<28672xf32, #tpu.memory_space<vmem>>, vector<16xf32>,
        %add3A_254 = arith.constant 4096 : i32
        %add3A_255 = arith.addi %add3A_254, %add3A_250 : i32
        %get3A_256 = arith.index_cast %add3A_255 : i32 to index
        %get3A_257 = tpu.vector_load %arg11[%get3A_256] {strides = array<i32>} : memref<28672xf32, #tpu.memory_space<vmem>>, vector<16xf32>,
        %add3A_258 = arith.constant 8192 : i32
        %add3A_259 = arith.addi %add3A_258, %add3A_250 : i32
        %get3A_260 = arith.index_cast %add3A_259 : i32 to index
        %get3A_261 = tpu.vector_load %arg11[%get3A_260] {strides = array<i32>} : memref<28672xf32, #tpu.memory_space<vmem>>, vector<16xf32>,
        %add3A_262 = arith.constant 12288 : i32
        %add3A_263 = arith.addi %add3A_262, %add3A_250 : i32
        %get3A_264 = arith.index_cast %add3A_263 : i32 to index
        %get3A_265 = tpu.vector_load %arg11[%get3A_264] {strides = array<i32>} : memref<28672xf32, #tpu.memory_space<vmem>>, vector<16xf32>,
        %add3A_266 = arith.constant 16384 : i32
        %add3A_267 = arith.addi %add3A_266, %add3A_250 : i32
        %get3A_268 = arith.index_cast %add3A_267 : i32 to index
        %get3A_269 = tpu.vector_load %arg11[%get3A_268] {strides = array<i32>} : memref<28672xf32, #tpu.memory_space<vmem>>, vector<16xf32>,
        %add3A_270 = arith.constant 20480 : i32
        %add3A_271 = arith.addi %add3A_270, %add3A_250 : i32
        %get3A_272 = arith.index_cast %add3A_271 : i32 to index
        %get3A_273 = tpu.vector_load %arg11[%get3A_272] {strides = array<i32>} : memref<28672xf32, #tpu.memory_space<vmem>>, vector<16xf32>,
        %add3A_274 = arith.constant 24576 : i32
        %add3A_275 = arith.addi %add3A_274, %add3A_250 : i32
        %get3A_276 = arith.index_cast %add3A_275 : i32 to index
        %get3A_277 = tpu.vector_load %arg11[%get3A_276] {strides = array<i32>} : memref<28672xf32, #tpu.memory_space<vmem>>, vector<16xf32>,
        %ge3A = arith.cmpf oge, %get3A_257, %get3A_269 : vector<16xf32>
        %lt3A_278 = arith.cmpf olt, %get3A_257, %get3A_273 : vector<16xf32>
        %and3A = arith.andi %ge3A, %lt3A_278 : vector<16xi1>
        %sub3A = arith.subf %get3A_257, %get3A_265 : vector<16xf32>
        %mul3A_279 = arith.mulf %sub3A, %get3A_277 : vector<16xf32>
        %add3A_280 = arith.addf %get3A_261, %mul3A_279 : vector<16xf32>
        %ge3A_281 = arith.cmpf oge, %add3A_280, %get3A_253 : vector<16xf32>
        %and3A_282 = arith.andi %and3A, %ge3A_281 : vector<16xi1>
        %jit3A = arith.constant 1 : i32
        %jit3A_283 = arith.constant 0 : i32
        %broadcast_in_dim3A_284 = vector.broadcast %jit3A : i32 to vector<16xi32>
        %broadcast_in_dim3A_285 = vector.broadcast %jit3A_283 : i32 to vector<16xi32>
        %select_n3A = arith.select %and3A_282, %broadcast_in_dim3A_284, %broadcast_in_dim3A_285 : vector<16xi1>, vector<16xi32>
        %add3A_286 = arith.addi %broadcast_in_dim3A_248, %select_n3A : vector<16xi32>
        %add3A_287 = arith.constant 16 : i32
        %add3A_288 = arith.addi %mul3A_246, %add3A_287 : i32
        %add3A_289 = arith.constant 0 : i32
        %add3A_290 = arith.addi %add3A_289, %add3A_288 : i32
        %get3A_291 = arith.index_cast %add3A_290 : i32 to index
        %get3A_292 = tpu.vector_load %arg11[%get3A_291] {strides = array<i32>} : memref<28672xf32, #tpu.memory_space<vmem>>, vector<16xf32>,
        %add3A_293 = arith.constant 4096 : i32
        %add3A_294 = arith.addi %add3A_293, %add3A_288 : i32
        %get3A_295 = arith.index_cast %add3A_294 : i32 to index
        %get3A_296 = tpu.vector_load %arg11[%get3A_295] {strides = array<i32>} : memref<28672xf32, #tpu.memory_space<vmem>>, vector<16xf32>,
        %add3A_297 = arith.constant 8192 : i32
        %add3A_298 = arith.addi %add3A_297, %add3A_288 : i32
        %get3A_299 = arith.index_cast %add3A_298 : i32 to index
        %get3A_300 = tpu.vector_load %arg11[%get3A_299] {strides = array<i32>} : memref<28672xf32, #tpu.memory_space<vmem>>, vector<16xf32>,
        %add3A_301 = arith.constant 12288 : i32
        %add3A_302 = arith.addi %add3A_301, %add3A_288 : i32
        %get3A_303 = arith.index_cast %add3A_302 : i32 to index
        %get3A_304 = tpu.vector_load %arg11[%get3A_303] {strides = array<i32>} : memref<28672xf32, #tpu.memory_space<vmem>>, vector<16xf32>,
        %add3A_305 = arith.constant 16384 : i32
        %add3A_306 = arith.addi %add3A_305, %add3A_288 : i32
        %get3A_307 = arith.index_cast %add3A_306 : i32 to index
        %get3A_308 = tpu.vector_load %arg11[%get3A_307] {strides = array<i32>} : memref<28672xf32, #tpu.memory_space<vmem>>, vector<16xf32>,
        %add3A_309 = arith.constant 20480 : i32
        %add3A_310 = arith.addi %add3A_309, %add3A_288 : i32
        %get3A_311 = arith.index_cast %add3A_310 : i32 to index
        %get3A_312 = tpu.vector_load %arg11[%get3A_311] {strides = array<i32>} : memref<28672xf32, #tpu.memory_space<vmem>>, vector<16xf32>,
        %add3A_313 = arith.constant 24576 : i32
        %add3A_314 = arith.addi %add3A_313, %add3A_288 : i32
        %get3A_315 = arith.index_cast %add3A_314 : i32 to index
        %get3A_316 = tpu.vector_load %arg11[%get3A_315] {strides = array<i32>} : memref<28672xf32, #tpu.memory_space<vmem>>, vector<16xf32>,
        %ge3A_317 = arith.cmpf oge, %get3A_296, %get3A_308 : vector<16xf32>
        %lt3A_318 = arith.cmpf olt, %get3A_296, %get3A_312 : vector<16xf32>
        %and3A_319 = arith.andi %ge3A_317, %lt3A_318 : vector<16xi1>
        %sub3A_320 = arith.subf %get3A_296, %get3A_304 : vector<16xf32>
        %mul3A_321 = arith.mulf %sub3A_320, %get3A_316 : vector<16xf32>
        %add3A_322 = arith.addf %get3A_300, %mul3A_321 : vector<16xf32>
        %ge3A_323 = arith.cmpf oge, %add3A_322, %get3A_292 : vector<16xf32>
        %and3A_324 = arith.andi %and3A_319, %ge3A_323 : vector<16xi1>
        %jit3A_325 = arith.constant 1 : i32
        %jit3A_326 = arith.constant 0 : i32
        %broadcast_in_dim3A_327 = vector.broadcast %jit3A_325 : i32 to vector<16xi32>
        %broadcast_in_dim3A_328 = vector.broadcast %jit3A_326 : i32 to vector<16xi32>
        %select_n3A_329 = arith.select %and3A_324, %broadcast_in_dim3A_327, %broadcast_in_dim3A_328 : vector<16xi1>, vector<16xi32>
        %add3A_330 = arith.addi %add3A_286, %select_n3A_329 : vector<16xi32>
        %add3A_331 = arith.constant 32 : i32
        %add3A_332 = arith.addi %mul3A_246, %add3A_331 : i32
        %add3A_333 = arith.constant 0 : i32
        %add3A_334 = arith.addi %add3A_333, %add3A_332 : i32
        %get3A_335 = arith.index_cast %add3A_334 : i32 to index
        %get3A_336 = tpu.vector_load %arg11[%get3A_335] {strides = array<i32>} : memref<28672xf32, #tpu.memory_space<vmem>>, vector<16xf32>,
        %add3A_337 = arith.constant 4096 : i32
        %add3A_338 = arith.addi %add3A_337, %add3A_332 : i32
        %get3A_339 = arith.index_cast %add3A_338 : i32 to index
        %get3A_340 = tpu.vector_load %arg11[%get3A_339] {strides = array<i32>} : memref<28672xf32, #tpu.memory_space<vmem>>, vector<16xf32>,
        %add3A_341 = arith.constant 8192 : i32
        %add3A_342 = arith.addi %add3A_341, %add3A_332 : i32
        %get3A_343 = arith.index_cast %add3A_342 : i32 to index
        %get3A_344 = tpu.vector_load %arg11[%get3A_343] {strides = array<i32>} : memref<28672xf32, #tpu.memory_space<vmem>>, vector<16xf32>,
        %add3A_345 = arith.constant 12288 : i32
        %add3A_346 = arith.addi %add3A_345, %add3A_332 : i32
        %get3A_347 = arith.index_cast %add3A_346 : i32 to index
        %get3A_348 = tpu.vector_load %arg11[%get3A_347] {strides = array<i32>} : memref<28672xf32, #tpu.memory_space<vmem>>, vector<16xf32>,
        %add3A_349 = arith.constant 16384 : i32
        %add3A_350 = arith.addi %add3A_349, %add3A_332 : i32
        %get3A_351 = arith.index_cast %add3A_350 : i32 to index
        %get3A_352 = tpu.vector_load %arg11[%get3A_351] {strides = array<i32>} : memref<28672xf32, #tpu.memory_space<vmem>>, vector<16xf32>,
        %add3A_353 = arith.constant 20480 : i32
        %add3A_354 = arith.addi %add3A_353, %add3A_332 : i32
        %get3A_355 = arith.index_cast %add3A_354 : i32 to index
        %get3A_356 = tpu.vector_load %arg11[%get3A_355] {strides = array<i32>} : memref<28672xf32, #tpu.memory_space<vmem>>, vector<16xf32>,
        %add3A_357 = arith.constant 24576 : i32
        %add3A_358 = arith.addi %add3A_357, %add3A_332 : i32
        %get3A_359 = arith.index_cast %add3A_358 : i32 to index
        %get3A_360 = tpu.vector_load %arg11[%get3A_359] {strides = array<i32>} : memref<28672xf32, #tpu.memory_space<vmem>>, vector<16xf32>,
        %ge3A_361 = arith.cmpf oge, %get3A_340, %get3A_352 : vector<16xf32>
        %lt3A_362 = arith.cmpf olt, %get3A_340, %get3A_356 : vector<16xf32>
        %and3A_363 = arith.andi %ge3A_361, %lt3A_362 : vector<16xi1>
        %sub3A_364 = arith.subf %get3A_340, %get3A_348 : vector<16xf32>
        %mul3A_365 = arith.mulf %sub3A_364, %get3A_360 : vector<16xf32>
        %add3A_366 = arith.addf %get3A_344, %mul3A_365 : vector<16xf32>
        %ge3A_367 = arith.cmpf oge, %add3A_366, %get3A_336 : vector<16xf32>
        %and3A_368 = arith.andi %and3A_363, %ge3A_367 : vector<16xi1>
        %jit3A_369 = arith.constant 1 : i32
        %jit3A_370 = arith.constant 0 : i32
        %broadcast_in_dim3A_371 = vector.broadcast %jit3A_369 : i32 to vector<16xi32>
        %broadcast_in_dim3A_372 = vector.broadcast %jit3A_370 : i32 to vector<16xi32>
        %select_n3A_373 = arith.select %and3A_368, %broadcast_in_dim3A_371, %broadcast_in_dim3A_372 : vector<16xi1>, vector<16xi32>
        %add3A_374 = arith.addi %add3A_330, %select_n3A_373 : vector<16xi32>
        %add3A_375 = arith.constant 48 : i32
        %add3A_376 = arith.addi %mul3A_246, %add3A_375 : i32
        %add3A_377 = arith.constant 0 : i32
        %add3A_378 = arith.addi %add3A_377, %add3A_376 : i32
        %get3A_379 = arith.index_cast %add3A_378 : i32 to index
        %get3A_380 = tpu.vector_load %arg11[%get3A_379] {strides = array<i32>} : memref<28672xf32, #tpu.memory_space<vmem>>, vector<16xf32>,
        %add3A_381 = arith.constant 4096 : i32
        %add3A_382 = arith.addi %add3A_381, %add3A_376 : i32
        %get3A_383 = arith.index_cast %add3A_382 : i32 to index
        %get3A_384 = tpu.vector_load %arg11[%get3A_383] {strides = array<i32>} : memref<28672xf32, #tpu.memory_space<vmem>>, vector<16xf32>,
        %add3A_385 = arith.constant 8192 : i32
        %add3A_386 = arith.addi %add3A_385, %add3A_376 : i32
        %get3A_387 = arith.index_cast %add3A_386 : i32 to index
        %get3A_388 = tpu.vector_load %arg11[%get3A_387] {strides = array<i32>} : memref<28672xf32, #tpu.memory_space<vmem>>, vector<16xf32>,
        %add3A_389 = arith.constant 12288 : i32
        %add3A_390 = arith.addi %add3A_389, %add3A_376 : i32
        %get3A_391 = arith.index_cast %add3A_390 : i32 to index
        %get3A_392 = tpu.vector_load %arg11[%get3A_391] {strides = array<i32>} : memref<28672xf32, #tpu.memory_space<vmem>>, vector<16xf32>,
        %add3A_393 = arith.constant 16384 : i32
        %add3A_394 = arith.addi %add3A_393, %add3A_376 : i32
        %get3A_395 = arith.index_cast %add3A_394 : i32 to index
        %get3A_396 = tpu.vector_load %arg11[%get3A_395] {strides = array<i32>} : memref<28672xf32, #tpu.memory_space<vmem>>, vector<16xf32>,
        %add3A_397 = arith.constant 20480 : i32
        %add3A_398 = arith.addi %add3A_397, %add3A_376 : i32
        %get3A_399 = arith.index_cast %add3A_398 : i32 to index
        %get3A_400 = tpu.vector_load %arg11[%get3A_399] {strides = array<i32>} : memref<28672xf32, #tpu.memory_space<vmem>>, vector<16xf32>,
        %add3A_401 = arith.constant 24576 : i32
        %add3A_402 = arith.addi %add3A_401, %add3A_376 : i32
        %get3A_403 = arith.index_cast %add3A_402 : i32 to index
        %get3A_404 = tpu.vector_load %arg11[%get3A_403] {strides = array<i32>} : memref<28672xf32, #tpu.memory_space<vmem>>, vector<16xf32>,
        %ge3A_405 = arith.cmpf oge, %get3A_384, %get3A_396 : vector<16xf32>
        %lt3A_406 = arith.cmpf olt, %get3A_384, %get3A_400 : vector<16xf32>
        %and3A_407 = arith.andi %ge3A_405, %lt3A_406 : vector<16xi1>
        %sub3A_408 = arith.subf %get3A_384, %get3A_392 : vector<16xf32>
        %mul3A_409 = arith.mulf %sub3A_408, %get3A_404 : vector<16xf32>
        %add3A_410 = arith.addf %get3A_388, %mul3A_409 : vector<16xf32>
        %ge3A_411 = arith.cmpf oge, %add3A_410, %get3A_380 : vector<16xf32>
        %and3A_412 = arith.andi %and3A_407, %ge3A_411 : vector<16xi1>
        %jit3A_413 = arith.constant 1 : i32
        %jit3A_414 = arith.constant 0 : i32
        %broadcast_in_dim3A_415 = vector.broadcast %jit3A_413 : i32 to vector<16xi32>
        %broadcast_in_dim3A_416 = vector.broadcast %jit3A_414 : i32 to vector<16xi32>
        %select_n3A_417 = arith.select %and3A_412, %broadcast_in_dim3A_415, %broadcast_in_dim3A_416 : vector<16xi1>, vector<16xi32>
        %add3A_418 = arith.addi %add3A_374, %select_n3A_417 : vector<16xi32>
        %add3A_419 = arith.constant 64 : i32
        %add3A_420 = arith.addi %mul3A_246, %add3A_419 : i32
        %add3A_421 = arith.constant 0 : i32
        %add3A_422 = arith.addi %add3A_421, %add3A_420 : i32
        %get3A_423 = arith.index_cast %add3A_422 : i32 to index
        %get3A_424 = tpu.vector_load %arg11[%get3A_423] {strides = array<i32>} : memref<28672xf32, #tpu.memory_space<vmem>>, vector<16xf32>,
        %add3A_425 = arith.constant 4096 : i32
        %add3A_426 = arith.addi %add3A_425, %add3A_420 : i32
        %get3A_427 = arith.index_cast %add3A_426 : i32 to index
        %get3A_428 = tpu.vector_load %arg11[%get3A_427] {strides = array<i32>} : memref<28672xf32, #tpu.memory_space<vmem>>, vector<16xf32>,
        %add3A_429 = arith.constant 8192 : i32
        %add3A_430 = arith.addi %add3A_429, %add3A_420 : i32
        %get3A_431 = arith.index_cast %add3A_430 : i32 to index
        %get3A_432 = tpu.vector_load %arg11[%get3A_431] {strides = array<i32>} : memref<28672xf32, #tpu.memory_space<vmem>>, vector<16xf32>,
        %add3A_433 = arith.constant 12288 : i32
        %add3A_434 = arith.addi %add3A_433, %add3A_420 : i32
        %get3A_435 = arith.index_cast %add3A_434 : i32 to index
        %get3A_436 = tpu.vector_load %arg11[%get3A_435] {strides = array<i32>} : memref<28672xf32, #tpu.memory_space<vmem>>, vector<16xf32>,
        %add3A_437 = arith.constant 16384 : i32
        %add3A_438 = arith.addi %add3A_437, %add3A_420 : i32
        %get3A_439 = arith.index_cast %add3A_438 : i32 to index
        %get3A_440 = tpu.vector_load %arg11[%get3A_439] {strides = array<i32>} : memref<28672xf32, #tpu.memory_space<vmem>>, vector<16xf32>,
        %add3A_441 = arith.constant 20480 : i32
        %add3A_442 = arith.addi %add3A_441, %add3A_420 : i32
        %get3A_443 = arith.index_cast %add3A_442 : i32 to index
        %get3A_444 = tpu.vector_load %arg11[%get3A_443] {strides = array<i32>} : memref<28672xf32, #tpu.memory_space<vmem>>, vector<16xf32>,
        %add3A_445 = arith.constant 24576 : i32
        %add3A_446 = arith.addi %add3A_445, %add3A_420 : i32
        %get3A_447 = arith.index_cast %add3A_446 : i32 to index
        %get3A_448 = tpu.vector_load %arg11[%get3A_447] {strides = array<i32>} : memref<28672xf32, #tpu.memory_space<vmem>>, vector<16xf32>,
        %ge3A_449 = arith.cmpf oge, %get3A_428, %get3A_440 : vector<16xf32>
        %lt3A_450 = arith.cmpf olt, %get3A_428, %get3A_444 : vector<16xf32>
        %and3A_451 = arith.andi %ge3A_449, %lt3A_450 : vector<16xi1>
        %sub3A_452 = arith.subf %get3A_428, %get3A_436 : vector<16xf32>
        %mul3A_453 = arith.mulf %sub3A_452, %get3A_448 : vector<16xf32>
        %add3A_454 = arith.addf %get3A_432, %mul3A_453 : vector<16xf32>
        %ge3A_455 = arith.cmpf oge, %add3A_454, %get3A_424 : vector<16xf32>
        %and3A_456 = arith.andi %and3A_451, %ge3A_455 : vector<16xi1>
        %jit3A_457 = arith.constant 1 : i32
        %jit3A_458 = arith.constant 0 : i32
        %broadcast_in_dim3A_459 = vector.broadcast %jit3A_457 : i32 to vector<16xi32>
        %broadcast_in_dim3A_460 = vector.broadcast %jit3A_458 : i32 to vector<16xi32>
        %select_n3A_461 = arith.select %and3A_456, %broadcast_in_dim3A_459, %broadcast_in_dim3A_460 : vector<16xi1>, vector<16xi32>
        %add3A_462 = arith.addi %add3A_418, %select_n3A_461 : vector<16xi32>
        %add3A_463 = arith.constant 80 : i32
        %add3A_464 = arith.addi %mul3A_246, %add3A_463 : i32
        %add3A_465 = arith.constant 0 : i32
        %add3A_466 = arith.addi %add3A_465, %add3A_464 : i32
        %get3A_467 = arith.index_cast %add3A_466 : i32 to index
        %get3A_468 = tpu.vector_load %arg11[%get3A_467] {strides = array<i32>} : memref<28672xf32, #tpu.memory_space<vmem>>, vector<16xf32>,
        %add3A_469 = arith.constant 4096 : i32
        %add3A_470 = arith.addi %add3A_469, %add3A_464 : i32
        %get3A_471 = arith.index_cast %add3A_470 : i32 to index
        %get3A_472 = tpu.vector_load %arg11[%get3A_471] {strides = array<i32>} : memref<28672xf32, #tpu.memory_space<vmem>>, vector<16xf32>,
        %add3A_473 = arith.constant 8192 : i32
        %add3A_474 = arith.addi %add3A_473, %add3A_464 : i32
        %get3A_475 = arith.index_cast %add3A_474 : i32 to index
        %get3A_476 = tpu.vector_load %arg11[%get3A_475] {strides = array<i32>} : memref<28672xf32, #tpu.memory_space<vmem>>, vector<16xf32>,
        %add3A_477 = arith.constant 12288 : i32
        %add3A_478 = arith.addi %add3A_477, %add3A_464 : i32
        %get3A_479 = arith.index_cast %add3A_478 : i32 to index
        %get3A_480 = tpu.vector_load %arg11[%get3A_479] {strides = array<i32>} : memref<28672xf32, #tpu.memory_space<vmem>>, vector<16xf32>,
        %add3A_481 = arith.constant 16384 : i32
        %add3A_482 = arith.addi %add3A_481, %add3A_464 : i32
        %get3A_483 = arith.index_cast %add3A_482 : i32 to index
        %get3A_484 = tpu.vector_load %arg11[%get3A_483] {strides = array<i32>} : memref<28672xf32, #tpu.memory_space<vmem>>, vector<16xf32>,
        %add3A_485 = arith.constant 20480 : i32
        %add3A_486 = arith.addi %add3A_485, %add3A_464 : i32
        %get3A_487 = arith.index_cast %add3A_486 : i32 to index
        %get3A_488 = tpu.vector_load %arg11[%get3A_487] {strides = array<i32>} : memref<28672xf32, #tpu.memory_space<vmem>>, vector<16xf32>,
        %add3A_489 = arith.constant 24576 : i32
        %add3A_490 = arith.addi %add3A_489, %add3A_464 : i32
        %get3A_491 = arith.index_cast %add3A_490 : i32 to index
        %get3A_492 = tpu.vector_load %arg11[%get3A_491] {strides = array<i32>} : memref<28672xf32, #tpu.memory_space<vmem>>, vector<16xf32>,
        %ge3A_493 = arith.cmpf oge, %get3A_472, %get3A_484 : vector<16xf32>
        %lt3A_494 = arith.cmpf olt, %get3A_472, %get3A_488 : vector<16xf32>
        %and3A_495 = arith.andi %ge3A_493, %lt3A_494 : vector<16xi1>
        %sub3A_496 = arith.subf %get3A_472, %get3A_480 : vector<16xf32>
        %mul3A_497 = arith.mulf %sub3A_496, %get3A_492 : vector<16xf32>
        %add3A_498 = arith.addf %get3A_476, %mul3A_497 : vector<16xf32>
        %ge3A_499 = arith.cmpf oge, %add3A_498, %get3A_468 : vector<16xf32>
        %and3A_500 = arith.andi %and3A_495, %ge3A_499 : vector<16xi1>
        %jit3A_501 = arith.constant 1 : i32
        %jit3A_502 = arith.constant 0 : i32
        %broadcast_in_dim3A_503 = vector.broadcast %jit3A_501 : i32 to vector<16xi32>
        %broadcast_in_dim3A_504 = vector.broadcast %jit3A_502 : i32 to vector<16xi32>
        %select_n3A_505 = arith.select %and3A_500, %broadcast_in_dim3A_503, %broadcast_in_dim3A_504 : vector<16xi1>, vector<16xi32>
        %add3A_506 = arith.addi %add3A_462, %select_n3A_505 : vector<16xi32>
        %add3A_507 = arith.constant 96 : i32
        %add3A_508 = arith.addi %mul3A_246, %add3A_507 : i32
        %add3A_509 = arith.constant 0 : i32
        %add3A_510 = arith.addi %add3A_509, %add3A_508 : i32
        %get3A_511 = arith.index_cast %add3A_510 : i32 to index
        %get3A_512 = tpu.vector_load %arg11[%get3A_511] {strides = array<i32>} : memref<28672xf32, #tpu.memory_space<vmem>>, vector<16xf32>,
        %add3A_513 = arith.constant 4096 : i32
        %add3A_514 = arith.addi %add3A_513, %add3A_508 : i32
        %get3A_515 = arith.index_cast %add3A_514 : i32 to index
        %get3A_516 = tpu.vector_load %arg11[%get3A_515] {strides = array<i32>} : memref<28672xf32, #tpu.memory_space<vmem>>, vector<16xf32>,
        %add3A_517 = arith.constant 8192 : i32
        %add3A_518 = arith.addi %add3A_517, %add3A_508 : i32
        %get3A_519 = arith.index_cast %add3A_518 : i32 to index
        %get3A_520 = tpu.vector_load %arg11[%get3A_519] {strides = array<i32>} : memref<28672xf32, #tpu.memory_space<vmem>>, vector<16xf32>,
        %add3A_521 = arith.constant 12288 : i32
        %add3A_522 = arith.addi %add3A_521, %add3A_508 : i32
        %get3A_523 = arith.index_cast %add3A_522 : i32 to index
        %get3A_524 = tpu.vector_load %arg11[%get3A_523] {strides = array<i32>} : memref<28672xf32, #tpu.memory_space<vmem>>, vector<16xf32>,
        %add3A_525 = arith.constant 16384 : i32
        %add3A_526 = arith.addi %add3A_525, %add3A_508 : i32
        %get3A_527 = arith.index_cast %add3A_526 : i32 to index
        %get3A_528 = tpu.vector_load %arg11[%get3A_527] {strides = array<i32>} : memref<28672xf32, #tpu.memory_space<vmem>>, vector<16xf32>,
        %add3A_529 = arith.constant 20480 : i32
        %add3A_530 = arith.addi %add3A_529, %add3A_508 : i32
        %get3A_531 = arith.index_cast %add3A_530 : i32 to index
        %get3A_532 = tpu.vector_load %arg11[%get3A_531] {strides = array<i32>} : memref<28672xf32, #tpu.memory_space<vmem>>, vector<16xf32>,
        %add3A_533 = arith.constant 24576 : i32
        %add3A_534 = arith.addi %add3A_533, %add3A_508 : i32
        %get3A_535 = arith.index_cast %add3A_534 : i32 to index
        %get3A_536 = tpu.vector_load %arg11[%get3A_535] {strides = array<i32>} : memref<28672xf32, #tpu.memory_space<vmem>>, vector<16xf32>,
        %ge3A_537 = arith.cmpf oge, %get3A_516, %get3A_528 : vector<16xf32>
        %lt3A_538 = arith.cmpf olt, %get3A_516, %get3A_532 : vector<16xf32>
        %and3A_539 = arith.andi %ge3A_537, %lt3A_538 : vector<16xi1>
        %sub3A_540 = arith.subf %get3A_516, %get3A_524 : vector<16xf32>
        %mul3A_541 = arith.mulf %sub3A_540, %get3A_536 : vector<16xf32>
        %add3A_542 = arith.addf %get3A_520, %mul3A_541 : vector<16xf32>
        %ge3A_543 = arith.cmpf oge, %add3A_542, %get3A_512 : vector<16xf32>
        %and3A_544 = arith.andi %and3A_539, %ge3A_543 : vector<16xi1>
        %jit3A_545 = arith.constant 1 : i32
        %jit3A_546 = arith.constant 0 : i32
        %broadcast_in_dim3A_547 = vector.broadcast %jit3A_545 : i32 to vector<16xi32>
        %broadcast_in_dim3A_548 = vector.broadcast %jit3A_546 : i32 to vector<16xi32>
        %select_n3A_549 = arith.select %and3A_544, %broadcast_in_dim3A_547, %broadcast_in_dim3A_548 : vector<16xi1>, vector<16xi32>
        %add3A_550 = arith.addi %add3A_506, %select_n3A_549 : vector<16xi32>
        %add3A_551 = arith.constant 112 : i32
        %add3A_552 = arith.addi %mul3A_246, %add3A_551 : i32
        %add3A_553 = arith.constant 0 : i32
        %add3A_554 = arith.addi %add3A_553, %add3A_552 : i32
        %get3A_555 = arith.index_cast %add3A_554 : i32 to index
        %get3A_556 = tpu.vector_load %arg11[%get3A_555] {strides = array<i32>} : memref<28672xf32, #tpu.memory_space<vmem>>, vector<16xf32>,
        %add3A_557 = arith.constant 4096 : i32
        %add3A_558 = arith.addi %add3A_557, %add3A_552 : i32
        %get3A_559 = arith.index_cast %add3A_558 : i32 to index
        %get3A_560 = tpu.vector_load %arg11[%get3A_559] {strides = array<i32>} : memref<28672xf32, #tpu.memory_space<vmem>>, vector<16xf32>,
        %add3A_561 = arith.constant 8192 : i32
        %add3A_562 = arith.addi %add3A_561, %add3A_552 : i32
        %get3A_563 = arith.index_cast %add3A_562 : i32 to index
        %get3A_564 = tpu.vector_load %arg11[%get3A_563] {strides = array<i32>} : memref<28672xf32, #tpu.memory_space<vmem>>, vector<16xf32>,
        %add3A_565 = arith.constant 12288 : i32
        %add3A_566 = arith.addi %add3A_565, %add3A_552 : i32
        %get3A_567 = arith.index_cast %add3A_566 : i32 to index
        %get3A_568 = tpu.vector_load %arg11[%get3A_567] {strides = array<i32>} : memref<28672xf32, #tpu.memory_space<vmem>>, vector<16xf32>,
        %add3A_569 = arith.constant 16384 : i32
        %add3A_570 = arith.addi %add3A_569, %add3A_552 : i32
        %get3A_571 = arith.index_cast %add3A_570 : i32 to index
        %get3A_572 = tpu.vector_load %arg11[%get3A_571] {strides = array<i32>} : memref<28672xf32, #tpu.memory_space<vmem>>, vector<16xf32>,
        %add3A_573 = arith.constant 20480 : i32
        %add3A_574 = arith.addi %add3A_573, %add3A_552 : i32
        %get3A_575 = arith.index_cast %add3A_574 : i32 to index
        %get3A_576 = tpu.vector_load %arg11[%get3A_575] {strides = array<i32>} : memref<28672xf32, #tpu.memory_space<vmem>>, vector<16xf32>,
        %add3A_577 = arith.constant 24576 : i32
        %add3A_578 = arith.addi %add3A_577, %add3A_552 : i32
        %get3A_579 = arith.index_cast %add3A_578 : i32 to index
        %get3A_580 = tpu.vector_load %arg11[%get3A_579] {strides = array<i32>} : memref<28672xf32, #tpu.memory_space<vmem>>, vector<16xf32>,
        %ge3A_581 = arith.cmpf oge, %get3A_560, %get3A_572 : vector<16xf32>
        %lt3A_582 = arith.cmpf olt, %get3A_560, %get3A_576 : vector<16xf32>
        %and3A_583 = arith.andi %ge3A_581, %lt3A_582 : vector<16xi1>
        %sub3A_584 = arith.subf %get3A_560, %get3A_568 : vector<16xf32>
        %mul3A_585 = arith.mulf %sub3A_584, %get3A_580 : vector<16xf32>
        %add3A_586 = arith.addf %get3A_564, %mul3A_585 : vector<16xf32>
        %ge3A_587 = arith.cmpf oge, %add3A_586, %get3A_556 : vector<16xf32>
        %and3A_588 = arith.andi %and3A_583, %ge3A_587 : vector<16xi1>
        %jit3A_589 = arith.constant 1 : i32
        %jit3A_590 = arith.constant 0 : i32
        %broadcast_in_dim3A_591 = vector.broadcast %jit3A_589 : i32 to vector<16xi32>
        %broadcast_in_dim3A_592 = vector.broadcast %jit3A_590 : i32 to vector<16xi32>
        %select_n3A_593 = arith.select %and3A_588, %broadcast_in_dim3A_591, %broadcast_in_dim3A_592 : vector<16xi1>, vector<16xi32>
        %add3A_594 = arith.addi %add3A_550, %select_n3A_593 : vector<16xi32>
        %reduce_sum3A = arith.constant true
        %reduce_sum3A_595 = vector.broadcast %reduce_sum3A : i1 to vector<16xi1>
        %reduce_sum3A_596 = tpu.scan <sum>, %add3A_594 masked %reduce_sum3A_595 : vector<16xi32>, vector<16xi1> -> vector<16xi32>
        %reduce_sum3A_597 = vector.extract %reduce_sum3A_596[15] : i32 from vector<16xi32>
        %eq3A = arith.constant 1 : i32
        %eq3A_598 = arith.cmpi eq, %reduce_sum3A_597, %eq3A : i32
        %jit3A_599 = arith.constant 1 : i32
        %jit3A_600 = arith.constant 0 : i32
        %select_n3A_601 = arith.select %eq3A_598, %jit3A_599, %jit3A_600 : i32
        %and3A_602 = arith.constant 15 : i32
        %and3A_603 = arith.andi %scan3A_243, %and3A_602 : i32
        %eq3A_604 = vector.broadcast %and3A_603 : i32 to vector<16xi32>
        %eq3A_605 = arith.cmpi eq, %iota3A, %eq3A_604 : vector<16xi32>
        %broadcast_in_dim3A_606 = vector.broadcast %select_n3A_601 : i32 to vector<16xi32>
        %select_n3A_607 = arith.select %eq3A_605, %broadcast_in_dim3A_606, %scan3A_244 : vector<16xi1>, vector<16xi32>
        %and3A_608 = arith.constant 15 : i32
        %and3A_609 = arith.andi %scan3A_243, %and3A_608 : i32
        %eq3A_610 = arith.constant 15 : i32
        %eq3A_611 = arith.cmpi eq, %and3A_609, %eq3A_610 : i32
        %convert_element_type3A_612 = arith.extui %eq3A_611 : i1 to i32
        %cond3A_613 = arith.constant 0 : i32
        %cond3A_614 = arith.cmpi ne, %convert_element_type3A_612, %cond3A_613 : i32
        scf.if %cond3A_614 {
          %mul3A_615 = arith.constant 32 : i32
          %mul3A_616 = arith.muli %add3A_171, %mul3A_615 : i32
          %and3A_617 = arith.constant -16 : i32
          %and3A_618 = arith.andi %scan3A_243, %and3A_617 : i32
          %add3A_619 = arith.addi %mul3A_616, %and3A_618 : i32
          %swap3A = arith.index_cast %add3A_619 : i32 to index
          %swap3A_620 = tpu.vector_load %arg12[%swap3A] {strides = array<i32>} : memref<256xi32, #tpu.memory_space<vmem>>, vector<16xi32>,
          tpu.vector_store %arg12[%swap3A], %select_n3A_607 {strides = array<i32>} : memref<256xi32, #tpu.memory_space<vmem>>, vector<16xi32>,
        } else {
        }
        scf.yield %select_n3A_607 : vector<16xi32>
      }
      %scan3A_235 = arith.constant 32 : i32
      %add3A_236 = arith.constant 2 : i32
      %add3A_237 = arith.addi %add3A_171, %add3A_236 : i32
      %lt3A_238 = arith.constant 8 : i32
      %lt3A_239 = arith.cmpi slt, %add3A_237, %lt3A_238 : i32
      %convert_element_type3A_240 = arith.extui %lt3A_239 : i1 to i32
      %cond3A_241 = arith.constant 0 : i32
      %cond3A_242 = arith.cmpi ne, %convert_element_type3A_240, %cond3A_241 : i32
      scf.if %cond3A_242 {
        %add3A_243 = arith.constant 2 : i32
        %add3A_244 = arith.addi %add3A_171, %add3A_243 : i32
        %mul3A_245 = arith.constant 4096 : i32
        %mul3A_246 = arith.muli %add3A_244, %mul3A_245 : i32
        %add3A_247 = arith.addi %mul3A_2, %mul3A_246 : i32
        %dma_start3A_248 = arith.constant 0 : i32
        %dma_start3A_249 = tpu.memref_slice %arg11[%dma_start3A_248] : memref<28672xf32, #tpu.memory_space<vmem>> -> memref<4096xf32, #tpu.memory_space<vmem>>
        %dma_start3A_250 = tpu.memref_slice %arg2[%add3A_247] : memref<1048576xf32, #tpu.memory_space<hbm>> -> memref<4096xf32, #tpu.memory_space<hbm>>
        %dma_start3A_251 = arith.constant 0 : i32
        %dma_start3A_252 = tpu.memref_slice %arg11[%dma_start3A_251] : memref<28672xf32, #tpu.memory_space<vmem>> -> memref<4096xf32, #tpu.memory_space<vmem>>
        %dma_start3A_253 = tpu.memref_slice %arg2[%add3A_247] : memref<1048576xf32, #tpu.memory_space<hbm>> -> memref<4096xf32, #tpu.memory_space<hbm>>
        tpu.enqueue_dma source(%dma_start3A_253 : memref<4096xf32, #tpu.memory_space<hbm>>) target(%dma_start3A_252 : memref<4096xf32, #tpu.memory_space<vmem>>) target_semaphore(%arg14 : memref<!tpu.dma_semaphore, #tpu.memory_space<semaphore_mem>>)
        %dma_start3A_254 = arith.constant 4096 : i32
        %dma_start3A_255 = tpu.memref_slice %arg11[%dma_start3A_254] : memref<28672xf32, #tpu.memory_space<vmem>> -> memref<4096xf32, #tpu.memory_space<vmem>>
        %dma_start3A_256 = tpu.memref_slice %arg3[%add3A_247] : memref<1048576xf32, #tpu.memory_space<hbm>> -> memref<4096xf32, #tpu.memory_space<hbm>>
        %dma_start3A_257 = arith.constant 4096 : i32
        %dma_start3A_258 = tpu.memref_slice %arg11[%dma_start3A_257] : memref<28672xf32, #tpu.memory_space<vmem>> -> memref<4096xf32, #tpu.memory_space<vmem>>
        %dma_start3A_259 = tpu.memref_slice %arg3[%add3A_247] : memref<1048576xf32, #tpu.memory_space<hbm>> -> memref<4096xf32, #tpu.memory_space<hbm>>
        tpu.enqueue_dma source(%dma_start3A_259 : memref<4096xf32, #tpu.memory_space<hbm>>) target(%dma_start3A_258 : memref<4096xf32, #tpu.memory_space<vmem>>) target_semaphore(%arg14 : memref<!tpu.dma_semaphore, #tpu.memory_space<semaphore_mem>>)
        %dma_start3A_260 = arith.constant 8192 : i32
        %dma_start3A_261 = tpu.memref_slice %arg11[%dma_start3A_260] : memref<28672xf32, #tpu.memory_space<vmem>> -> memref<4096xf32, #tpu.memory_space<vmem>>
        %dma_start3A_262 = tpu.memref_slice %arg4[%add3A_247] : memref<1048576xf32, #tpu.memory_space<hbm>> -> memref<4096xf32, #tpu.memory_space<hbm>>
        %dma_start3A_263 = arith.constant 8192 : i32
        %dma_start3A_264 = tpu.memref_slice %arg11[%dma_start3A_263] : memref<28672xf32, #tpu.memory_space<vmem>> -> memref<4096xf32, #tpu.memory_space<vmem>>
        %dma_start3A_265 = tpu.memref_slice %arg4[%add3A_247] : memref<1048576xf32, #tpu.memory_space<hbm>> -> memref<4096xf32, #tpu.memory_space<hbm>>
        tpu.enqueue_dma source(%dma_start3A_265 : memref<4096xf32, #tpu.memory_space<hbm>>) target(%dma_start3A_264 : memref<4096xf32, #tpu.memory_space<vmem>>) target_semaphore(%arg14 : memref<!tpu.dma_semaphore, #tpu.memory_space<semaphore_mem>>)
        %dma_start3A_266 = arith.constant 12288 : i32
        %dma_start3A_267 = tpu.memref_slice %arg11[%dma_start3A_266] : memref<28672xf32, #tpu.memory_space<vmem>> -> memref<4096xf32, #tpu.memory_space<vmem>>
        %dma_start3A_268 = tpu.memref_slice %arg5[%add3A_247] : memref<1048576xf32, #tpu.memory_space<hbm>> -> memref<4096xf32, #tpu.memory_space<hbm>>
        %dma_start3A_269 = arith.constant 12288 : i32
        %dma_start3A_270 = tpu.memref_slice %arg11[%dma_start3A_269] : memref<28672xf32, #tpu.memory_space<vmem>> -> memref<4096xf32, #tpu.memory_space<vmem>>
        %dma_start3A_271 = tpu.memref_slice %arg5[%add3A_247] : memref<1048576xf32, #tpu.memory_space<hbm>> -> memref<4096xf32, #tpu.memory_space<hbm>>
        tpu.enqueue_dma source(%dma_start3A_271 : memref<4096xf32, #tpu.memory_space<hbm>>) target(%dma_start3A_270 : memref<4096xf32, #tpu.memory_space<vmem>>) target_semaphore(%arg14 : memref<!tpu.dma_semaphore, #tpu.memory_space<semaphore_mem>>)
        %dma_start3A_272 = arith.constant 16384 : i32
        %dma_start3A_273 = tpu.memref_slice %arg11[%dma_start3A_272] : memref<28672xf32, #tpu.memory_space<vmem>> -> memref<4096xf32, #tpu.memory_space<vmem>>
        %dma_start3A_274 = tpu.memref_slice %arg6[%add3A_247] : memref<1048576xf32, #tpu.memory_space<hbm>> -> memref<4096xf32, #tpu.memory_space<hbm>>
        %dma_start3A_275 = arith.constant 16384 : i32
        %dma_start3A_276 = tpu.memref_slice %arg11[%dma_start3A_275] : memref<28672xf32, #tpu.memory_space<vmem>> -> memref<4096xf32, #tpu.memory_space<vmem>>
        %dma_start3A_277 = tpu.memref_slice %arg6[%add3A_247] : memref<1048576xf32, #tpu.memory_space<hbm>> -> memref<4096xf32, #tpu.memory_space<hbm>>
        tpu.enqueue_dma source(%dma_start3A_277 : memref<4096xf32, #tpu.memory_space<hbm>>) target(%dma_start3A_276 : memref<4096xf32, #tpu.memory_space<vmem>>) target_semaphore(%arg14 : memref<!tpu.dma_semaphore, #tpu.memory_space<semaphore_mem>>)
        %dma_start3A_278 = arith.constant 20480 : i32
        %dma_start3A_279 = tpu.memref_slice %arg11[%dma_start3A_278] : memref<28672xf32, #tpu.memory_space<vmem>> -> memref<4096xf32, #tpu.memory_space<vmem>>
        %dma_start3A_280 = tpu.memref_slice %arg7[%add3A_247] : memref<1048576xf32, #tpu.memory_space<hbm>> -> memref<4096xf32, #tpu.memory_space<hbm>>
        %dma_start3A_281 = arith.constant 20480 : i32
        %dma_start3A_282 = tpu.memref_slice %arg11[%dma_start3A_281] : memref<28672xf32, #tpu.memory_space<vmem>> -> memref<4096xf32, #tpu.memory_space<vmem>>
        %dma_start3A_283 = tpu.memref_slice %arg7[%add3A_247] : memref<1048576xf32, #tpu.memory_space<hbm>> -> memref<4096xf32, #tpu.memory_space<hbm>>
        tpu.enqueue_dma source(%dma_start3A_283 : memref<4096xf32, #tpu.memory_space<hbm>>) target(%dma_start3A_282 : memref<4096xf32, #tpu.memory_space<vmem>>) target_semaphore(%arg14 : memref<!tpu.dma_semaphore, #tpu.memory_space<semaphore_mem>>)
        %dma_start3A_284 = arith.constant 24576 : i32
        %dma_start3A_285 = tpu.memref_slice %arg11[%dma_start3A_284] : memref<28672xf32, #tpu.memory_space<vmem>> -> memref<4096xf32, #tpu.memory_space<vmem>>
        %dma_start3A_286 = tpu.memref_slice %arg8[%add3A_247] : memref<1048576xf32, #tpu.memory_space<hbm>> -> memref<4096xf32, #tpu.memory_space<hbm>>
        %dma_start3A_287 = arith.constant 24576 : i32
        %dma_start3A_288 = tpu.memref_slice %arg11[%dma_start3A_287] : memref<28672xf32, #tpu.memory_space<vmem>> -> memref<4096xf32, #tpu.memory_space<vmem>>
        %dma_start3A_289 = tpu.memref_slice %arg8[%add3A_247] : memref<1048576xf32, #tpu.memory_space<hbm>> -> memref<4096xf32, #tpu.memory_space<hbm>>
        tpu.enqueue_dma source(%dma_start3A_289 : memref<4096xf32, #tpu.memory_space<hbm>>) target(%dma_start3A_288 : memref<4096xf32, #tpu.memory_space<vmem>>) target_semaphore(%arg14 : memref<!tpu.dma_semaphore, #tpu.memory_space<semaphore_mem>>)
      } else {
      }
    }
    %scan3A_96 = arith.constant 4 : i32
    "tpu.region"() ({
      %run_scoped3A = tpu.sem_alloc : memref<!tpu.dma_semaphore, #tpu.memory_space<semaphore_mem>>
      %dma_start3A_97 = tpu.memref_slice %arg9[%mul3A_4] : memref<8192xi32, #tpu.memory_space<hbm>> -> memref<256xi32, #tpu.memory_space<hbm>>
      %dma_start3A_98 = tpu.memref_slice %arg9[%mul3A_4] : memref<8192xi32, #tpu.memory_space<hbm>> -> memref<256xi32, #tpu.memory_space<hbm>>
      tpu.enqueue_dma source(%arg12 : memref<256xi32, #tpu.memory_space<vmem>>) target(%dma_start3A_98 : memref<256xi32, #tpu.memory_space<hbm>>) target_semaphore(%run_scoped3A : memref<!tpu.dma_semaphore, #tpu.memory_space<semaphore_mem>>)
      %dma_wait3A = tpu.memref_slice %arg9[%mul3A_4] : memref<8192xi32, #tpu.memory_space<hbm>> -> memref<256xi32, #tpu.memory_space<hbm>>
      %dma_wait3A_99 = tpu.memref_slice %arg9[%mul3A_4] : memref<8192xi32, #tpu.memory_space<hbm>> -> memref<256xi32, #tpu.memory_space<hbm>>
      tpu.wait_dma2 semaphore(%run_scoped3A : memref<!tpu.dma_semaphore, #tpu.memory_space<semaphore_mem>>) src(%arg12 : memref<256xi32, #tpu.memory_space<vmem>>) dst(%dma_wait3A_99 : memref<256xi32, #tpu.memory_space<hbm>>)
      tpu.yield
    }) : () -> ()
    return
  }
}

</mosaic_0001>

<sc_bundles>
// kernel: _sc_flags.3.cloned.1.call-start
scs
__scs_entry_jumppad:
0x0: {  	(pc) =	sbr.rel $0x88, $3  }
0x1: {  	(tag) =	ssettag $0x0;
	lr =	simm.s32 $0x1  }
0x2: {  	[smem:$0x3F9A] =	sst lr;
	_ =	strace $0xD0000000  }
0x3: {  	_ = 	snop  }
0x4: {  	_ = 	snop  }
0x5: {  	_ = 	snop  }
0x6: {  	_ = 	snop  }
0x7: {  	_ = 	snop  }
__scs_overlays_trampoline_lowered:
0x8: {  	[smem:$0x3FA9] =	sst s0  }
0x9: {  	[smem:$0x3FAA] =	sst s1  }
0xa: {  	[smem:$0x3FAB] =	sst s2  }
0xb: {  	[smem:$0x3FAC] =	sst s3  }
0xc: {  	[smem:$0x3FAD] =	sst s4  }
0xd: {  	[smem:$0x3FAE] =	sst s5  }
0xe: {  	[smem:$0x3FAF] =	sst s6  }
0xf: {  	[smem:$0x3FB0] =	sst s7  }
0x10: {  	[smem:$0x3FB1] =	sst s8  }
0x11: {  	[smem:$0x3FB2] =	sst s9;
	s0 =	simm.s32 @!p0 $0x0  }
0x12: {  	s1 =	sld [smem:$0x3F98];
	s0 =	simm.s32 @p0 $0x1  }
0x13: {  	[smem:$0x3FB3] =	sst s0;
	s0 =	simm.s32 @!p1 $0x0  }
0x14: {  	s2 =	sld [smem:$0x3F97];
	s0 =	simm.s32 @p1 $0x1  }
0x15: {  	[smem:$0x3FB4] =	sst s0;
	s0 =	simm.s32 @!p2 $0x0  }
0x16: {  	s3 =	sld [smem:$0x3FDB];
	s0 =	simm.s32 @p2 $0x1  }
0x17: {  	s4 =	simm.s32 $0x1BF5;
	[smem:$0x3FB6] =	sst s0  }
0x18: {  	s0 =	sld [smem:$0x3F99];
	_ =	swait.ge [sflag:s4], $0x0  }
0x19: {  	s7 =	sld [smem:$0x3F9A]  }
0x1a: {  	s8 =	sadd.s32 $0xFFFFE003, lr  }
0x1b: {  	s9 =	sadd.s32 $0xFFFFFEF7, lr;
	s5 =	simm.s32 $0xFFFFFFFF;
	p2 =	slt.u32 s8, $0xFFFFF086  }
0x1c: {  	p1 =	slt.u32 s9, $0xF7A;
	s5 =	simm.s32 @!p2 $0x0  }
0x1d: {  	s5 =	simm.s32 @p1 $0x1;
	p0 =	seq.s32 s7, s2  }
0x1e: {  	s7 =	smul.u32 @!p0 $0xF7A, s2;
	p2 =	seq.s32 @!p0 s5, $0x0  }
0x1f: {  	s9 =	smul.u32 $0xF7A, s1;
	s8 =	simm.s32 @!p0 $0x1BF5;
	p2 =	por !p2, p0  }
0x20: {  	[sflag:s8] =	ssyncset.s32 @!p0 $0xFFFFF086;
	s6 =	sadd.s32 @!p0 s3, s7;
	s7 =	simm.s32 @!p0 $0x108  }
0x21: {  	s3 =	sadd.s32 s3, s9;
	s6 =	sadd.s32 @!p0 $0x88, s6;
	s7 =	simm.s32 @p2 $0x1082  }
0x22: {  	[simem:s7], [sflag:s8] =	dma.local @!p0 [hbm:s6], $0xF7A  }
0x23: {  	s9 =	sor.u32 $0xD0000000, s2;
	s6 =	simm.s32 $0x108;
	_ =	swait.ge @!p0 [sflag:s8], $0x0  }
0x24: {  	s3 =	sadd.s32 $0x88, s3;
	s6 =	simm.s32 @!p1 $0x1082;
	[sflag:s4] =	ssyncset.s32 $0xFFFFF086  }
0x25: {  	[simem:s6], [sflag:s4] =	dma.local [hbm:s3], $0xF7A  }
0x26: {  	[smem:$0x3F9A] =	sst s1;
	(tag) =	ssettag s2;
	_ =	strace s9  }
0x27: {  	s1 =	sld [smem:$0x3FAA]  }
0x28: {  	s2 =	sld [smem:$0x3FAB]  }
0x29: {  	s4 =	sld [smem:$0x3FAD]  }
0x2a: {  	p0 =	seq.s32 s5, $0x0;
	s5 =	sld [smem:$0x3FAE]  }
0x2b: {  	s6 =	sld [smem:$0x3FAF]  }
0x2c: {  	s7 =	sld [smem:$0x3FB0]  }
0x2d: {  	s3 =	simm.s32 $0x108;
	s8 =	sld [smem:$0x3FB1]  }
0x2e: {  	s3 =	simm.s32 @!p0 $0x1082;
	s9 =	sld [smem:$0x3FB2]  }
0x2f: {  	lr =	sadd.s32 s0, s3;
	s0 =	sld [smem:$0x3FA9]  }
0x30: {  	s3 =	sld [smem:$0x3FAC]  }
0x31: {  	[smem:$0x3FB5] =	sst s10  }
0x32: {  	s10 =	sld [smem:$0x3FB3];
	_ =	sdelay $0x3  }
0x33: {  	p0 =	seq.s32 s10, $0x1;
	s10 =	sld [smem:$0x3FB5];
	_ =	sdelay $0x3  }
0x34: {  	[smem:$0x3FB5] =	sst s10  }
0x35: {  	s10 =	sld [smem:$0x3FB4];
	_ =	sdelay $0x3  }
0x36: {  	p1 =	seq.s32 s10, $0x1;
	s10 =	sld [smem:$0x3FB5];
	_ =	sdelay $0x3  }
0x37: {  	[smem:$0x3FB5] =	sst s10  }
0x38: {  	s10 =	sld [smem:$0x3FB6]  }
0x39: {  	_ = 	snop;
	(pc) =	sbr.ind lr, $3  }
0x3a: {  	_ = 	snop  }
0x3b: {  	_ = 	snop  }
0x3c: {  	p2 =	seq.s32 s10, $0x1;
	s10 =	sld [smem:$0x3FB5]  }
0x3d: {  	_ =	shalt  }
0x3e: {  	_ =	shalt  }
0x3f: {  	_ =	shalt  }
0x40: {  	_ =	shalt  }
0x41: {  	_ =	shalt  }
0x42: {  	_ =	shalt  }
0x43: {  	_ =	shalt  }
0x44: {  	_ =	shalt  }
0x45: {  	_ =	shalt  }
0x46: {  	_ =	shalt  }
0x47: {  	_ =	shalt  }
0x48: {  	_ =	shalt  }
0x49: {  	_ =	shalt  }
0x4a: {  	_ =	shalt  }
0x4b: {  	_ =	shalt  }
0x4c: {  	_ =	shalt  }
0x4d: {  	_ =	shalt  }
0x4e: {  	_ =	shalt  }
0x4f: {  	_ =	shalt  }
0x50: {  	_ =	shalt  }
0x51: {  	_ =	shalt  }
0x52: {  	_ =	shalt  }
0x53: {  	_ =	shalt  }
0x54: {  	_ =	shalt  }
0x55: {  	_ =	shalt  }
0x56: {  	_ =	shalt  }
0x57: {  	_ =	shalt  }
0x58: {  	_ =	shalt  }
0x59: {  	_ =	shalt  }
0x5a: {  	_ =	shalt  }
0x5b: {  	_ =	shalt  }
0x5c: {  	_ =	shalt  }
0x5d: {  	_ =	shalt  }
0x5e: {  	_ =	shalt  }
0x5f: {  	_ =	shalt  }
0x60: {  	_ =	shalt  }
0x61: {  	_ =	shalt  }
0x62: {  	_ =	shalt  }
0x63: {  	_ =	shalt  }
0x64: {  	_ =	shalt  }
0x65: {  	_ =	shalt  }
0x66: {  	_ =	shalt  }
0x67: {  	_ =	shalt  }
0x68: {  	_ =	shalt  }
0x69: {  	_ =	shalt  }
0x6a: {  	_ =	shalt  }
0x6b: {  	_ =	shalt  }
0x6c: {  	_ =	shalt  }
0x6d: {  	_ =	shalt  }
0x6e: {  	_ =	shalt  }
0x6f: {  	_ =	shalt  }
0x70: {  	_ =	shalt  }
0x71: {  	_ =	shalt  }
0x72: {  	_ =	shalt  }
0x73: {  	_ =	shalt  }
0x74: {  	_ =	shalt  }
0x75: {  	_ =	shalt  }
0x76: {  	_ =	shalt  }
0x77: {  	_ =	shalt  }
0x78: {  	_ =	shalt  }
0x79: {  	_ =	shalt  }
0x7a: {  	_ =	shalt  }
0x7b: {  	_ =	shalt  }
0x7c: {  	_ =	shalt  }
0x7d: {  	_ =	shalt  }
0x7e: {  	_ =	shalt  }
0x7f: {  	_ =	shalt  }
0x80: {  	_ =	shalt  }
0x81: {  	_ =	shalt  }
0x82: {  	_ =	shalt  }
0x83: {  	_ =	shalt  }
0x84: {  	_ =	shalt  }
0x85: {  	_ =	shalt  }
0x86: {  	_ =	shalt  }
0x87: {  	_ =	shalt  }
.Lfunc_end0:
.L_simem_size_0:
called_computation_lowered:
.L_overlay_start_0:
0x88: {  	s2 =	sld [smem:$0x3FD9]  }
0x89: {  	s3 =	sld [smem:$0x3FFE];
	_ =	sdelay $0x1  }
0x8a: {  	s1 =	srdreg.scid  }
0x8b: {  	s0 =	sand.u32 $0x1, s1  }
0x8c: {  	s18 =	sshll.u32 s0, $0xA;
	s2 =	sadd.s32 s3, s2  }
0x8d: {  	s2 =	sadd.s32 s2, s18  }
0x8e: {  	[smem:$0x3FC1] =	sst s2  }
0x8f: {  	_ = 	snop  }
0x90: {  	s2 =	sld [smem:$0x3FC9]  }
0x91: {  	s19 =	sld [smem:$0x3FC8]  }
0x92: {  	s4 =	sld [smem:$0x3FC7]  }
0x93: {  	s5 =	sld [smem:$0x3FC6]  }
0x94: {  	s6 =	sld [smem:$0x3FC5]  }
0x95: {  	s7 =	sld [smem:$0x3FC4]  }
0x96: {  	s8 =	sld [smem:$0x3FC3]  }
0x97: {  	s9 =	sld [smem:$0x3FD0];
	(tm) =	ssettm $0x1  }
0x98: {  	s10 =	sld [smem:$0x3FFB];
	_ =	sdelay $0x3  }
0x99: {  	_ =	strace s10  }
0x9a: {  	s10 =	sld [smem:$0x3FFC];
	_ =	sdelay $0x3  }
0x9b: {  	_ =	strace s10  }
0x9c: {  	s10 =	sld [smem:$0x3FFD];
	_ =	sdelay $0x3  }
0x9d: {  	_ =	strace s10  }
0x9e: {  	_ =	strace $0x8FFFFFFF  }
0x9f: {  	s20 =	sld [smem:$0x3FDB];
	_ =	sdelay $0x1  }
0xa0: {  	s11 =	simm.s32 $_scs_section_size  }
0xa1: {  	s12 =	simm.s32 $_size__tile_overlayer_lowered;
	s13 =	simm.s32 $_tile_overlayer_lowered  }
0xa2: {  	s23 =	simm.s32 $0x1BFF;
	s22 =	sshll.u32 s13, $0x1;
	s10 =	sadd.s32 s11, s20  }
0xa3: {  	s14 =	simm.s32 $0x0;
	s21 =	sshll.u32 s12, $0x1;
	s12 =	sadd.s32 s22, s10  }
0xa4: {  	[timem:s14], [sflag:s23] =	dma.local [hbm:s12], s21  }
0xa5: {  	_ =	swait.ge [sflag:s23], s21  }
0xa6: {  	s11 =	ssub.s32 $0x0, s21;
	[sflag:s23] =	ssyncset.done $0x0  }
0xa7: {  	[sflag:s23] =	ssyncadd.s32 s11;
	_ =	sdelay $0x1  }
0xa8: {  	s24 =	simm.s32 $0x1B8B  }
0xa9: {  	_ =	swait.ge [sflag:s24], $0x1  }
0xaa: {  	[sflag:s24] =	ssyncset.done $0x0  }
0xab: {  	s25 =	simm.s32 $0x1B8E;
	[sflag:s24] =	ssyncadd.s32 $0xFFFFFFFF  }
0xac: {  	s26 =	simm.s32 $execute0_lowered;
	[smem:$0x3FD2] =	sst s25  }
0xad: {  	s11 =	sshll.u32 s26, $0x1;
	_ =	strace $0x80000046;
	[dreg:$0x1] =	wrdreg $0xFFFFFFFF  }
0xae: {  	s28 =	simm.s32 $_size_execute0_lowered;
	s10 =	sadd.s32 s10, s11;
	[dreg:$0x0] =	wrdreg $0x0  }
0xaf: {  	s11 =	sshll.u32 s28, $0x1;
	[dreg:$0x2] =	wrdreg s10  }
0xb0: {  	[dreg:$0x3] =	wrdreg s11  }
0xb1: {  	[dreg:$0x4] =	wrdreg $0xC0  }
0xb2: {  	_ =	task [dreg:s14], $0x5FFFF  }
0xb3: {  	[dreg:$0x1] =	wrdreg $0xFFFFFFFF  }
0xb4: {  	[dreg:$0x0] =	wrdreg $0x60  }
0xb5: {  	[dreg:$0x2] =	wrdreg s2  }
0xb6: {  	[dreg:$0x3] =	wrdreg s19  }
0xb7: {  	[dreg:$0x4] =	wrdreg s4  }
0xb8: {  	[dreg:$0x5] =	wrdreg s5  }
0xb9: {  	[dreg:$0x6] =	wrdreg s6  }
0xba: {  	[dreg:$0x7] =	wrdreg s7  }
0xbb: {  	[dreg:$0x8] =	wrdreg s8  }
0xbc: {  	[dreg:$0x9] =	wrdreg s9  }
0xbd: {  	[dreg:$0xa] =	wrdreg $0x9  }
0xbe: {  	_ =	task.clear_ibuf [dreg:s14], $0xBFFFF;
	_ =	strace $0x90000046  }
0xbf: {  	s29 =	simm.s32 $0x9;
	_ =	strace $0x80000048  }
0xc0: {  	_ =	swait.ge [sflag:s29], $0x1  }
0xc1: {  	[sflag:s29] =	ssyncadd.s32 $0xFFFFFFFF  }
0xc2: {  	_ =	strace $0x90000048  }
0xc3: {  	_ =	sfence  }
0xc4: {  	s30 =	sld [smem:$0x0];
	_ =	sdelay $0x2  }
0xc5: {  	s31 =	sshll.u32 s1, $0xD;
	s1 =	sshrl.u32 s1, $0x2  }
0xc6: {  	s3 =	sand.u32 $0x4000, s31;
	s1 =	sadd.s32 s1, s30  }
0xc7: {  	s0 =	sor.u32 s3, s0;
	s1 =	sshll.u32 s1, $0x11  }
0xc8: {  	s0 =	sor.u32 s1, s0  }
0xc9: {  	s0 =	sadd.s32 $0x8F2B, s0  }
0xca: {  	[sflag:s0] =	ssyncadd.remote.s32 $0x1  }
0xcb: {  	_ =	sfence.sel $0xFFFF  }
0xcc: {  	[dreg:$0x0] =	wrdreg $0xFFFFFFFF;
	(pc) =	sbr.abs _section_cstart, $3  }
0xcd: {  	[dreg:$0x1] =	wrdreg $0xFFFFFFFF  }
0xce: {  	_ =	task.clear_ibuf [dreg:s14], $0x2FFFF;
	_ =	strace $0x9FFFFFFF  }
0xcf: {  	(tm) =	ssettm $0x7FFFFFFF  }
tec
execute0_lowered:
.L_overlay_start_1:
0x0: {  	(tag) =	ssettag $0x1  }
0x1: {  	s0 =	rddreg [dreg:$0x0]  }
0x2: {  	s1 =	rddreg [dreg:$0x1]  }
0x3: {  	s2 =	rddreg [dreg:$0x2]  }
0x4: {  	s4 =	rddreg [dreg:$0x3]  }
0x5: {  	s5 =	rddreg [dreg:$0x4]  }
0x6: {  	s6 =	rddreg [dreg:$0x5]  }
0x7: {  	s8 =	rddreg [dreg:$0x6]  }
0x8: {  	s7 =	srdreg.scid;
	s11 =	stileid.u32  }
0x9: {  	s3 =	rddreg [dreg:$0x7];
	s7 =	sand.u32 $0x1, s7;
	s11 =	sshll.u32 s11, $0x1  }
0xa: {  	s9 =	simm.s32 $0x0;
	s10 =	ssub.s32 $0x2, s7;
	s7 =	sor.u32 s7, s11  }
0xb: {  	s30 =	simm.s32 $0x7000;
	s31 =	simm.s32 $0x8000;
	s11 =	sshll.u32 s7, $0xC  }
0xc: {  	s29 =	simm.s32 $0xB000;
	[smem:$0x7FF] =	sst s9;
	s13 =	sadd.s32 s0, s11  }
0xd: {  	_ =	strace $0x80000047;
	s16 =	sadd.s32 s1, s11;
	[dreg:$0x9] =	wrdreg s13  }
0xe: {  	s14 =	simm.s32 $0x3;
	s17 =	sadd.s32 s2, s11;
	[dreg:$0xa] =	wrdreg s16  }
0xf: {  	s12 =	sshrl.u32 s10, $0x1;
	s18 =	sadd.s32 s4, s11;
	[dreg:$0xb] =	wrdreg s17  }
0x10: {  	s15 =	sshll.u32 s7, $0xF;
	s19 =	sadd.s32 s5, s11;
	[dreg:$0xc] =	wrdreg s18  }
0x11: {  	s7 =	sshll.u32 s7, $0x5;
	s20 =	sadd.s32 s6, s11;
	[dreg:$0xd] =	wrdreg s19  }
0x12: {  	s10 =	ssub.s32 s10, s12;
	s21 =	sadd.s32 s8, s11;
	[dreg:$0xe] =	wrdreg s20  }
0x13: {  	s11 =	sor.u32 $0x200, s11;
	s3 =	sadd.s32 s3, s7;
	[dreg:$0xf] =	wrdreg s21  }
0x14: {  	s7 =	simm.s32 $0xA000;
	s22 =	sadd.s32 s0, s11;
	[dreg:$0x14] =	wrdreg s3  }
0x15: {  	s12 =	simm.s32 $0x1;
	s23 =	sadd.s32 s1, s11;
	[dreg:$0x10] =	wrdreg s22  }
0x16: {  	s24 =	sadd.s32 s2, s11;
	s25 =	sadd.s32 s4, s11;
	[dreg:$0x11] =	wrdreg s23  }
.Ltmp0:
0x17: {  	s26 =	sadd.s32 s5, s11;
	[dreg:$0x12] =	wrdreg s24;
	(pc) =	sbr.rel .LBB2_1-.Ltmp0, $4  }
0x18: {  	s28 =	smax.u32 s10, $0x1;
	s3 =	simm.s32 $0x9000;
	[dreg:$0x13] =	wrdreg s25  }
0x19: {  	s10 =	simm.s32 $0xC000;
	s13 =	simm.s32 $0x2;
	[dreg:$0x15] =	wrdreg s26  }
0x1a: {  	s23 =	sadd.s32 s6, s11;
	s24 =	sadd.s32 s8, s11;
	s25 =	sor.u32 $0x2000, s15  }
0x1b: {  	v0 =	vimm.s32 $0x0;
	v1 =	vlaneseq.u32;
	s26 =	sor.u32 $0x3000, s15;
	s11 =	simm.s32 $0xD000;
	s15 =	simm.s32 $0x0  }
.LBB2_8:
0x1c: {  	s15 =	sadd.s32 $0x1, s15  }
0x1d: {  	p0 =	sne.s32 s15, s28  }
.Ltmp1:
0x1e: {  	s16 =	rddreg [dreg:$0x14];
	s17 =	simm.s32 $0xE000;
	(pc) =	sbr.rel @!p0 .LBB2_9-.Ltmp1, $4  }
0x1f: {  	[hbm4b:s16+s9] =	stream.linear.scatter [tilespmem:s17], [sflag:$0x3], $0x100, $0x38;
	[tilespmem:$0xE100] =	vst v63  }
0x20: {  	_ =	swait.ge [sflag:s14], $0x100  }
0x21: {  	[sflag:s14] =	ssyncset.done $0x0  }
0x22: {  	[sflag:s14] =	ssyncadd.s32 $0xFFFFFF00  }
.LBB2_1:
0x23: {  	s16 =	rddreg [dreg:$0x9]  }
0x24: {  	[tilespmem:s9], [sflag:$0x1] =	stream.linear.gather [hbm4b:s16+s9], $0x1000, $0x38;
	[tilespmem:$0xE100] =	vst v63  }
0x25: {  	s18 =	rddreg [dreg:$0xa];
	s17 =	simm.s32 $0x1000  }
0x26: {  	[tilespmem:s17], [sflag:$0x1] =	stream.linear.gather [hbm4b:s18+s9], $0x1000, $0x38;
	[tilespmem:$0xE100] =	vst v63  }
0x27: {  	s19 =	rddreg [dreg:$0xb];
	s20 =	simm.s32 $0x2000  }
0x28: {  	[tilespmem:s20], [sflag:$0x1] =	stream.linear.gather [hbm4b:s19+s9], $0x1000, $0x38;
	[tilespmem:$0xE100] =	vst v63  }
0x29: {  	s21 =	rddreg [dreg:$0xc];
	s22 =	simm.s32 $0x3000  }
0x2a: {  	[tilespmem:s22], [sflag:$0x1] =	stream.linear.gather [hbm4b:s21+s9], $0x1000, $0x38;
	[tilespmem:$0xE100] =	vst v63  }
0x2b: {  	s17 =	rddreg [dreg:$0xd];
	s18 =	simm.s32 $0x4000  }
0x2c: {  	[tilespmem:s18], [sflag:$0x1] =	stream.linear.gather [hbm4b:s17+s9], $0x1000, $0x38;
	[tilespmem:$0xE100] =	vst v63  }
0x2d: {  	s19 =	rddreg [dreg:$0xe];
	s20 =	simm.s32 $0x5000  }
0x2e: {  	[tilespmem:s20], [sflag:$0x1] =	stream.linear.gather [hbm4b:s19+s9], $0x1000, $0x38;
	[tilespmem:$0xE100] =	vst v63  }
0x2f: {  	s21 =	rddreg [dreg:$0xf];
	s22 =	simm.s32 $0x6000  }
0x30: {  	[tilespmem:s22], [sflag:$0x1] =	stream.linear.gather [hbm4b:s21+s9], $0x1000, $0x38;
	[tilespmem:$0xE100] =	vst v63  }
0x31: {  	s18 =	rddreg [dreg:$0x10]  }
0x32: {  	[tilespmem:s30], [sflag:$0x2] =	stream.linear.gather [hbm4b:s18+s9], $0x1000, $0x38;
	[tilespmem:$0xE100] =	vst v63  }
0x33: {  	s19 =	rddreg [dreg:$0x11]  }
0x34: {  	[tilespmem:s31], [sflag:$0x2] =	stream.linear.gather [hbm4b:s19+s9], $0x1000, $0x38;
	[tilespmem:$0xE100] =	vst v63  }
0x35: {  	s20 =	rddreg [dreg:$0x12]  }
0x36: {  	[tilespmem:s3], [sflag:$0x2] =	stream.linear.gather [hbm4b:s20+s9], $0x1000, $0x38;
	[tilespmem:$0xE100] =	vst v63  }
0x37: {  	s21 =	rddreg [dreg:$0x13]  }
0x38: {  	[tilespmem:s7], [sflag:$0x2] =	stream.linear.gather [hbm4b:s21+s9], $0x1000, $0x38;
	[tilespmem:$0xE100] =	vst v63  }
0x39: {  	s22 =	rddreg [dreg:$0x15]  }
0x3a: {  	[tilespmem:s29], [sflag:$0x2] =	stream.linear.gather [hbm4b:s22+s9], $0x1000, $0x38;
	[tilespmem:$0xE100] =	vst v63  }
0x3b: {  	_ = 	snop  }
0x3c: {  	[tilespmem:s10], [sflag:$0x2] =	stream.linear.gather [hbm4b:s23+s9], $0x1000, $0x38;
	[tilespmem:$0xE100] =	vst v63  }
0x3d: {  	s16 =	simm.s32 $0x0  }
0x3e: {  	[tilespmem:s11], [sflag:$0x2] =	stream.linear.gather [hbm4b:s24+s9], $0x1000, $0x38;
	[tilespmem:$0xE100] =	vst v63  }
.LBB2_2:
0x3f: {  	_ =	swait.ge [sflag:s12], $0x1000  }
0x40: {  	[sflag:s12] =	ssyncset.done $0x0  }
0x41: {  	[sflag:s12] =	ssyncadd.s32 $0xFFFFF000  }
0x42: {  	_ =	swait.ge [sflag:s12], $0x1000  }
0x43: {  	[sflag:s12] =	ssyncset.done $0x0  }
0x44: {  	[sflag:s12] =	ssyncadd.s32 $0xFFFFF000  }
0x45: {  	_ =	swait.ge [sflag:s12], $0x1000  }
0x46: {  	[sflag:s12] =	ssyncset.done $0x0  }
0x47: {  	[sflag:s12] =	ssyncadd.s32 $0xFFFFF000  }
0x48: {  	_ =	swait.ge [sflag:s12], $0x1000  }
0x49: {  	[sflag:s12] =	ssyncset.done $0x0  }
0x4a: {  	[sflag:s12] =	ssyncadd.s32 $0xFFFFF000  }
0x4b: {  	_ =	swait.ge [sflag:s12], $0x1000  }
0x4c: {  	[sflag:s12] =	ssyncset.done $0x0  }
0x4d: {  	[sflag:s12] =	ssyncadd.s32 $0xFFFFF000  }
0x4e: {  	_ =	swait.ge [sflag:s12], $0x1000  }
0x4f: {  	[sflag:s12] =	ssyncset.done $0x0  }
0x50: {  	[sflag:s12] =	ssyncadd.s32 $0xFFFFF000  }
0x51: {  	_ =	swait.ge [sflag:s12], $0x1000  }
0x52: {  	[sflag:s12] =	ssyncset.done $0x0  }
0x53: {  	s17 =	simm.s32 $0x0;
	[sflag:s12] =	ssyncadd.s32 $0xFFFFF000  }
0x54: {  	v2 =	vld [tilespmem:s17+$0x4070]  }
0x55: {  	v3 =	vld [tilespmem:s17+$0x70]  }
0x56: {  	v4 =	vld [tilespmem:s17+$0x4060]  }
0x57: {  	v5 =	vld [tilespmem:s17+$0x60]  }
0x58: {  	v6 =	vld [tilespmem:s17+$0x2070]  }
0x59: {  	v7 =	vld [tilespmem:s17+$0x4050]  }
0x5a: {  	v8 =	vld [tilespmem:s17+$0x50]  }
0x5b: {  	v9 =	vld [tilespmem:s17+$0x2060]  }
0x5c: {  	v10 =	vld [tilespmem:s17+$0x6070]  }
0x5d: {  	v11 =	vld [tilespmem:s17+$0x4040]  }
0x5e: {  	v12 =	vld [tilespmem:s17+$0x40]  }
0x5f: {  	v13 =	vld [tilespmem:s17+$0x2050]  }
0x60: {  	v14 =	vld [tilespmem:s17+$0x6060]  }
0x61: {  	v15 =	vld [tilespmem:s17+$0x3070]  }
0x62: {  	v16 =	vld [tilespmem:s17+$0x4030]  }
0x63: {  	v17 =	vld [tilespmem:s17+$0x30]  }
0x64: {  	v18 =	vld [tilespmem:s17+$0x2040]  }
0x65: {  	v19 =	vld [tilespmem:s17+$0x6050]  }
0x66: {  	v20 =	vld [tilespmem:s17+$0x3060]  }
0x67: {  	v22 =	vld [tilespmem:s17+$0x4020]  }
0x68: {  	v23 =	vld [tilespmem:s17+$0x20]  }
0x69: {  	v24 =	vld [tilespmem:s17+$0x2030]  }
0x6a: {  	v25 =	vld [tilespmem:s17+$0x6040]  }
0x6b: {  	v26 =	vld [tilespmem:s17+$0x3050]  }
0x6c: {  	v27 =	vld [tilespmem:s17+$0x1070]  }
0x6d: {  	v28 =	vld [tilespmem:s17+$0x4000]  }
0x6e: {  	v29 =	vld [tilespmem:s17+$0x0]  }
0x6f: {  	v30 =	vld [tilespmem:s17+$0x2020]  }
0x70: {  	v31 =	vld [tilespmem:s17+$0x6030]  }
0x71: {  	v32 =	vld [tilespmem:s17+$0x1060]  }
0x72: {  	v33 =	vld [tilespmem:s17+$0x3040]  }
0x73: {  	v34 =	vld [tilespmem:s17+$0x6020]  }
0x74: {  	v35 =	vld [tilespmem:s17+$0x1050]  }
0x75: {  	v36 =	vld [tilespmem:s17+$0x3030]  }
0x76: {  	v37 =	vld [tilespmem:s17+$0x1040]  }
0x77: {  	v38 =	vld [tilespmem:s17+$0x3020]  }
0x78: {  	v39 =	vld [tilespmem:s17+$0x1030]  }
0x79: {  	v44 =	vld [tilespmem:s17+$0x3000];
	v15 =	vsub.f32 v27, v15  }
0x7a: {  	v47 =	vld [tilespmem:s17+$0x1020];
	v20 =	vsub.f32 v32, v20  }
0x7b: {  	v46 =	vld [tilespmem:s17+$0x3010];
	v45 =	vsub.f32 v35, v26;
	v10 =	vmul.f32 v10, v15  }
0x7c: {  	v49 =	vld [tilespmem:s17+$0x1000];
	vm0 =	vge.f32 v27, v2;
	v2 =	vsub.f32 v37, v33;
	v14 =	vmul.f32 v14, v20  }
0x7d: {  	v50 =	vld [tilespmem:s17+$0x6000];
	vm2 =	vge.f32 v32, v4;
	v4 =	vsub.f32 v39, v36;
	v6 =	vadd.f32 v10, v6  }
0x7e: {  	v51 =	vld [tilespmem:s17+$0x6010];
	vm4 =	vge.f32 v35, v7;
	v48 =	vmul.f32 v19, v45;
	v9 =	vadd.f32 v14, v9  }
0x7f: {  	v53 =	vsub.f32 v47, v38;
	v2 =	vmul.f32 v25, v2;
	vm1 =	vge.f32 v6, v3;
	v3 =	vld [tilespmem:s17+$0x1010]  }
0x80: {  	v52 =	vld [tilespmem:s17+$0x2010];
	v4 =	vmul.f32 v31, v4;
	vm3 =	vge.f32 v9, v5;
	v5 =	vadd.f32 v48, v13  }
0x81: {  	v55 =	vld [tilespmem:s17+$0x4010];
	vm12 =	vge.f32 v37, v11;
	v54 =	vsub.f32 v49, v44;
	v2 =	vadd.f32 v2, v18  }
0x82: {  	vm14 =	vge.f32 v39, v16;
	v4 =	vadd.f32 v4, v24;
	vm11 =	vge.f32 v5, v8;
	v5 =	vld [tilespmem:s17+$0x2000]  }
0x83: {  	v57 =	vld [tilespmem:s17+$0x5010];
	vm15 =	vge.f32 v47, v22;
	vm13 =	vge.f32 v2, v12;
	v9 =	vmul.f32 v34, v53  }
0x84: {  	v58 =	vld [tilespmem:s17+$0x5030];
	v6 =	vmul.f32 v50, v54;
	vm5 =	vge.f32 v4, v17;
	v56 =	vsub.f32 v3, v46  }
0x85: {  	v2 =	vld [tilespmem:s17+$0x10];
	vm0 =	vmand vm0, vm1;
	vm1 =	vmand vm2, vm3;
	v4 =	vadd.f32 v9, v30  }
0x86: {  	v21 =	vld [tilespmem:s17+$0x5000];
	vm3 =	vmand vm12, vm13;
	vm2 =	vmand vm4, vm11;
	v7 =	vmul.f32 v51, v56  }
0x87: {  	v59 =	vld [tilespmem:s17+$0x5020];
	vm4 =	vmand vm14, vm5;
	vm12 =	vge.f32 v4, v23;
	v5 =	vadd.f32 v6, v5  }
0x88: {  	vm9 =	vge.f32 v3, v55;
	vm13 =	vlt.f32 v3, v57;
	v3 =	vld [tilespmem:s17+$0x5060];
	v7 =	vadd.f32 v7, v52  }
0x89: {  	vm5 =	vmand vm15, vm12;
	vm15 =	vlt.f32 v39, v58;
	vm8 =	vge.f32 v5, v29;
	v5 =	vld [tilespmem:s17+$0x5040]  }
0x8a: {  	vm6 =	vge.f32 v49, v28;
	vm4 =	vmand vm4, vm15;
	vm10 =	vge.f32 v7, v2;
	v2 =	vld [tilespmem:s17+$0x5050]  }
0x8b: {  	vm7 =	vlt.f32 v49, v21;
	v63 =	vsel vm4, $0x1, v0;
	vm6 =	vmand vm6, vm8  }
0x8c: {  	vm6 =	vmand vm6, vm7;
	vm9 =	vmand vm9, vm10;
	vm10 =	vlt.f32 v47, v59  }
0x8d: {  	v61 =	vld [tilespmem:s17+$0x5070];
	v4 =	vsel vm6, $0x1, v0;
	vm14 =	vmand vm9, vm13;
	vm5 =	vmand vm5, vm10  }
0x8e: {  	vm13 =	vlt.f32 v32, v3;
	v60 =	vsel vm14, $0x1, v0;
	v62 =	vsel vm5, $0x1, v0  }
0x8f: {  	vm11 =	vlt.f32 v37, v5;
	vm12 =	vlt.f32 v35, v2;
	v2 =	vadd.s32 v4, v60  }
0x90: {  	vm1 =	vmand vm1, vm13;
	vm3 =	vmand vm3, vm11;
	v2 =	vadd.s32 v62, v2  }
0x91: {  	v4 =	vsel vm3, $0x1, v0;
	vm2 =	vmand vm2, vm12;
	v2 =	vadd.s32 v63, v2  }
0x92: {  	vm14 =	vlt.f32 v27, v61;
	v5 =	vsel vm2, $0x1, v0;
	v2 =	vadd.s32 v4, v2  }
0x93: {  	v3 =	vsel vm1, $0x1, v0;
	vm0 =	vmand vm0, vm14;
	v2 =	vadd.s32 v5, v2  }
0x94: {  	v2 =	vadd.s32 v3, v2;
	v3 =	vsel vm0, $0x1, v0  }
0x95: {  	v2 =	vadd.s32 v3, v2  }
0x96: {  	(xrf0) =	vadd.scan.msk.s32 $0xffff, v2;
	_ =	sdelay $0x5  }
0x97: {  	v2, _, _ =	vpop (xrf0)  }
0x98: {  	(v2sf) =	vpush v2, $0xF;
	_ =	sdelay $0xd  }
0x99: {  	s18 =	simm.s32 $0x0  }
0x9a: {  	s22 =	sshll.u32 s16, $0x6;
	s19 =	sand.u32 $0xF, s18;
	s20 =	spop (v2sf)  }
0x9b: {  	s17 =	sand.u32 $0x3FFFFFC0, s22;
	v2 =	vmov s19;
	p0 =	seq.s32 s20, $0x1;
	s20 =	simm.s32 $0x1  }
0x9c: {  	s21 =	sadd.s32 $0xE000, s17;
	v3 =	vimm.s32 $0x0;
	vm15 =	veq.s32 v2, v1;
	s20 =	simm.s32 @!p0 $0x0  }
0x9d: {  	v2 =	vsel vm15, s20, v3;
	v3 =	vmov s21;
	_ =	sdelay $0x2  }
0x9e: {  	p1 =	sne.s32 s19, $0xF  }
0x9f: {  	s19 =	simm.s32 $0x200;
	s21 =	sand.u32 @!p1 $0x10, s18  }
.LBB2_3:
0xa0: {  	s20 =	sshra.s32 s19, $0x2;
	[tilespmem:v3+s21+$0x0 ss:$0x1] =	vst.idx.msk @!p1 $0xffff, v2  }
0xa1: {  	v4 =	vld [tilespmem:s20+$0x5070]  }
0xa2: {  	v5 =	vld [tilespmem:s20+$0x5060]  }
0xa3: {  	v6 =	vld [tilespmem:s20+$0x4070]  }
0xa4: {  	v7 =	vld [tilespmem:s20+$0x70]  }
0xa5: {  	v8 =	vld [tilespmem:s20+$0x5050]  }
0xa6: {  	v9 =	vld [tilespmem:s20+$0x4060]  }
0xa7: {  	v10 =	vld [tilespmem:s20+$0x60]  }
0xa8: {  	v11 =	vld [tilespmem:s20+$0x2070]  }
0xa9: {  	v12 =	vld [tilespmem:s20+$0x5040]  }
0xaa: {  	v13 =	vld [tilespmem:s20+$0x4050]  }
0xab: {  	v14 =	vld [tilespmem:s20+$0x50]  }
0xac: {  	v15 =	vld [tilespmem:s20+$0x2060]  }
0xad: {  	v16 =	vld [tilespmem:s20+$0x6070]  }
0xae: {  	v17 =	vld [tilespmem:s20+$0x5030]  }
0xaf: {  	v18 =	vld [tilespmem:s20+$0x4040]  }
0xb0: {  	v19 =	vld [tilespmem:s20+$0x40]  }
0xb1: {  	v20 =	vld [tilespmem:s20+$0x2050]  }
0xb2: {  	v21 =	vld [tilespmem:s20+$0x6060]  }
0xb3: {  	v22 =	vld [tilespmem:s20+$0x3070]  }
0xb4: {  	v23 =	vld [tilespmem:s20+$0x5020]  }
0xb5: {  	v24 =	vld [tilespmem:s20+$0x4030]  }
0xb6: {  	v25 =	vld [tilespmem:s20+$0x30]  }
0xb7: {  	v26 =	vld [tilespmem:s20+$0x2040]  }
0xb8: {  	v27 =	vld [tilespmem:s20+$0x6050]  }
0xb9: {  	v28 =	vld [tilespmem:s20+$0x3060]  }
0xba: {  	v29 =	vld [tilespmem:s20+$0x5000]  }
0xbb: {  	v30 =	vld [tilespmem:s20+$0x4020]  }
0xbc: {  	v31 =	vld [tilespmem:s20+$0x20]  }
0xbd: {  	v32 =	vld [tilespmem:s20+$0x2030]  }
0xbe: {  	v33 =	vld [tilespmem:s20+$0x6040]  }
0xbf: {  	v34 =	vld [tilespmem:s20+$0x3050]  }
0xc0: {  	v35 =	vld [tilespmem:s20+$0x1070]  }
0xc1: {  	v36 =	vld [tilespmem:s20+$0x4000]  }
0xc2: {  	v37 =	vld [tilespmem:s20+$0x0]  }
0xc3: {  	v40 =	vld [tilespmem:s20+$0x1060]  }
0xc4: {  	v41 =	vld [tilespmem:s20+$0x3040]  }
0xc5: {  	v43 =	vld [tilespmem:s20+$0x1050]  }
0xc6: {  	v44 =	vld [tilespmem:s20+$0x3030]  }
0xc7: {  	v45 =	vld [tilespmem:s20+$0x1040]  }
0xc8: {  	v46 =	vld [tilespmem:s20+$0x1030]  }
0xc9: {  	v63 =	vld [tilespmem:s20+$0x3000];
	v22 =	vsub.f32 v35, v22  }
0xca: {  	v48 =	vimm.s32 $0x0;
	v49 =	vld [tilespmem:s20+$0x1000];
	v28 =	vsub.f32 v40, v28;
	v34 =	vsub.f32 v43, v34  }
0xcb: {  	v39 =	vld [tilespmem:s20+$0x6030];
	vm0 =	vlt.f32 v35, v4;
	v4 =	vimm.s32 $0x0;
	vm1 =	vge.f32 v35, v6  }
0xcc: {  	v38 =	vld [tilespmem:s20+$0x2020];
	v41 =	vsub.f32 v45, v41;
	vm3 =	vge.f32 v40, v9;
	v16 =	vmul.f32 v16, v22  }
0xcd: {  	v62 =	vld [tilespmem:s20+$0x3020];
	v50 =	vsub.f32 v46, v44;
	vm7 =	vge.f32 v43, v13;
	vm4 =	vlt.f32 v43, v8  }
0xce: {  	v35 =	vld [tilespmem:s20+$0x1020];
	vm8 =	vge.f32 v45, v18;
	vm6 =	vlt.f32 v45, v12;
	v11 =	vadd.f32 v16, v11  }
0xcf: {  	v42 =	vld [tilespmem:s20+$0x6020];
	v57 =	vsub.f32 v49, v63;
	vm9 =	vge.f32 v46, v24;
	v4 =	vsel vm0, $0xFFFFFFFF, v4  }
0xd0: {  	v21 =	vmul.f32 v21, v28;
	[tilespmem:$0x1FFE0] =	vst v4;
	v4 =	vld [tilespmem:s20+$0x3010];
	v9 =	vmul.f32 v39, v50;
	vm2 =	vge.f32 v11, v7  }
0xd1: {  	v47 =	vmul.f32 v27, v34;
	vm15 =	vmand vm1, vm2;
	vm2 =	vlt.f32 v40, v5;
	v5 =	vld [tilespmem:s20+$0x1010]  }
0xd2: {  	v52 =	vld [tilespmem:s20+$0x6000];
	vm13 =	vlt.f32 v49, v29;
	v15 =	vadd.f32 v21, v15;
	v9 =	vadd.f32 v9, v32  }
0xd3: {  	v53 =	vld [tilespmem:s20+$0x6010];
	v51 =	vadd.f32 v47, v20;
	v56 =	vsub.f32 v35, v62;
	vm11 =	vlt.f32 v35, v23  }
0xd4: {  	v54 =	vld [tilespmem:s20+$0x2000];
	vm5 =	vge.f32 v15, v10;
	v7 =	vmul.f32 v33, v41;
	vm10 =	vge.f32 v9, v25  }
0xd5: {  	v55 =	vld [tilespmem:s20+$0x2010];
	vm3 =	vmand vm3, vm5;
	vm1 =	vge.f32 v51, v14;
	v13 =	vmul.f32 v42, v56  }
0xd6: {  	v58 =	vld [tilespmem:s20+$0x4010];
	vm9 =	vmand vm9, vm10;
	v7 =	vadd.f32 v7, v26;
	v4 =	vsub.f32 v5, v4  }
0xd7: {  	v59 =	vld [tilespmem:s20+$0x10];
	vm10 =	vge.f32 v35, v30;
	v21 =	vsel vm15, $0xFFFFFFFF, v48;
	v61 =	vadd.f32 v13, v38  }
0xd8: {  	v60 =	vld [tilespmem:s20+$0x5010];
	[tilespmem:$0x1FFF0] =	vst v21;
	vm12 =	vge.f32 v7, v19;
	v7 =	vmul.f32 v52, v57;
	v4 =	vmul.f32 v53, v4  }
0xd9: {  	vm5 =	vmand vm7, vm1;
	v63 =	vld [tilespmem:$0x1FFF0];
	vm7 =	vmand vm8, vm12;
	vm8 =	vlt.f32 v46, v17  }
0xda: {  	vm14 =	vge.f32 v61, v31;
	v7 =	vadd.f32 v7, v54;
	v4 =	vadd.f32 v4, v55  }
0xdb: {  	vm12 =	vge.f32 v49, v36;
	vm1 =	vge.f32 v5, v58;
	vm10 =	vmand vm10, vm14  }
0xdc: {  	vm9 =	vmand vm9, vm8;
	vm15 =	vge.f32 v7, v37;
	vm0 =	vge.f32 v4, v59  }
0xdd: {  	vm12 =	vmand vm12, vm15;
	vm15 =	vlt.f32 v5, v60;
	vm0 =	vmand vm1, vm0  }
0xde: {  	v62 =	vld [tilespmem:$0x1FFE0];
	vm14 =	vnez.u8 v63;
	vm13 =	vmand vm12, vm13;
	vm0 =	vmand vm0, vm15  }
0xdf: {  	v4 =	vsel vm13, $0x1, v0;
	vm15 =	vmand vm10, vm11;
	v5 =	vsel vm0, $0x1, v0  }
0xe0: {  	vm12 =	vmand vm3, vm2;
	v4 =	vadd.s32 v4, v5;
	v5 =	vsel vm15, $0x1, v0  }
0xe1: {  	vm10 =	vmand vm7, vm6;
	v4 =	vadd.s32 v5, v4;
	v5 =	vsel vm9, $0x1, v0  }
0xe2: {  	vm11 =	vmand vm5, vm4;
	v4 =	vadd.s32 v5, v4;
	v5 =	vsel vm10, $0x1, v0  }
0xe3: {  	vm13 =	vnez.u8 v62;
	v4 =	vadd.s32 v5, v4;
	v5 =	vsel vm11, $0x1, v0  }
0xe4: {  	vm0 =	vmand vm14, vm13;
	v4 =	vadd.s32 v5, v4;
	v5 =	vsel vm12, $0x1, v0  }
0xe5: {  	v4 =	vadd.s32 v5, v4;
	v5 =	vsel vm0, $0x1, v0  }
0xe6: {  	v4 =	vadd.s32 v5, v4  }
0xe7: {  	(xrf0) =	vadd.scan.msk.s32 $0xffff, v4;
	_ =	sdelay $0x5  }
0xe8: {  	v4, _, _ =	vpop (xrf0)  }
0xe9: {  	(v2sf) =	vpush v4, $0xF;
	_ =	sdelay $0xb  }
0xea: {  	s19 =	sadd.s32 $0x200, s19  }
0xeb: {  	p0 =	sne.s32 s19, $0x4000  }
.Ltmp2:
0xec: {  	s18 =	sadd.s32 $0x1, s18;
	(pc) =	sbr.rel @p0 .LBB2_3-.Ltmp2, $4  }
0xed: {  	s20 =	sand.u32 $0xF, s18;
	s22 =	spop (v2sf)  }
0xee: {  	s21 =	simm.s32 $0x1;
	v4 =	vmov s20;
	p1 =	seq.s32 s22, $0x1  }
0xef: {  	vm15 =	veq.s32 v4, v1;
	s21 =	simm.s32 @!p1 $0x0;
	p1 =	sne.s32 s20, $0xF  }
0xf0: {  	v2 =	vsel vm15, s21, v2;
	s21 =	sand.u32 @!p1 $0x10, s18  }
0xf1: {  	_ = 	snop  }
0xf2: {  	s18 =	sshll.u32 s16, $0xD;
	p0 =	seq.s32 s16, $0x3  }
0xf3: {  	s19 =	sadd.s32 @!p0 s18, s25  }
0xf4: {  	s19 =	sshrl.u32 @!p0 s19, $0x3  }
0xf5: {  	[tilespmem:v3+s21+$0x0 ss:$0x1] =	vst.idx.msk @!p1 $0xffff, v2;
	s21 =	simm.s32 @!p0 $0x0;
	s20 =	sadd.s32 @!p0 s0, s19  }
0xf6: {  	[tilespmem:s21], [sflag:$0x1] =	stream.linear.gather @!p0 [hbm4b:s20+s21], $0x1000, $0x38;
	[tilespmem:$0xE100] =	vst v63  }
0xf7: {  	s22 =	simm.s32 @!p0 $0x1000;
	s20 =	sadd.s32 @!p0 s1, s19  }
0xf8: {  	[tilespmem:s22], [sflag:$0x1] =	stream.linear.gather @!p0 [hbm4b:s20+s21], $0x1000, $0x38;
	[tilespmem:$0xE100] =	vst v63  }
0xf9: {  	s20 =	sadd.s32 @!p0 s2, s19;
	s22 =	simm.s32 @!p0 $0x2000  }
0xfa: {  	[tilespmem:s22], [sflag:$0x1] =	stream.linear.gather @!p0 [hbm4b:s20+s21], $0x1000, $0x38;
	[tilespmem:$0xE100] =	vst v63  }
0xfb: {  	s20 =	sadd.s32 @!p0 s4, s19;
	s22 =	simm.s32 @!p0 $0x3000  }
0xfc: {  	[tilespmem:s22], [sflag:$0x1] =	stream.linear.gather @!p0 [hbm4b:s20+s21], $0x1000, $0x38;
	[tilespmem:$0xE100] =	vst v63  }
0xfd: {  	s20 =	sadd.s32 @!p0 s5, s19;
	s22 =	simm.s32 @!p0 $0x4000  }
0xfe: {  	[tilespmem:s22], [sflag:$0x1] =	stream.linear.gather @!p0 [hbm4b:s20+s21], $0x1000, $0x38;
	[tilespmem:$0xE100] =	vst v63  }
0xff: {  	s20 =	sadd.s32 @!p0 s6, s19;
	s22 =	simm.s32 @!p0 $0x5000  }
0x100: {  	[tilespmem:s22], [sflag:$0x1] =	stream.linear.gather @!p0 [hbm4b:s20+s21], $0x1000, $0x38;
	[tilespmem:$0xE100] =	vst v63  }
0x101: {  	s19 =	sadd.s32 @!p0 s8, s19;
	s20 =	simm.s32 @!p0 $0x6000  }
0x102: {  	[tilespmem:s20], [sflag:$0x1] =	stream.linear.gather @!p0 [hbm4b:s19+s21], $0x1000, $0x38;
	[tilespmem:$0xE100] =	vst v63  }
0x103: {  	_ =	swait.ge [sflag:s13], $0x1000  }
0x104: {  	[sflag:s13] =	ssyncset.done $0x0  }
0x105: {  	[sflag:s13] =	ssyncadd.s32 $0xFFFFF000  }
0x106: {  	_ =	swait.ge [sflag:s13], $0x1000  }
0x107: {  	[sflag:s13] =	ssyncset.done $0x0  }
0x108: {  	[sflag:s13] =	ssyncadd.s32 $0xFFFFF000  }
0x109: {  	_ =	swait.ge [sflag:s13], $0x1000  }
0x10a: {  	[sflag:s13] =	ssyncset.done $0x0  }
0x10b: {  	[sflag:s13] =	ssyncadd.s32 $0xFFFFF000  }
0x10c: {  	_ =	swait.ge [sflag:s13], $0x1000  }
0x10d: {  	[sflag:s13] =	ssyncset.done $0x0  }
0x10e: {  	[sflag:s13] =	ssyncadd.s32 $0xFFFFF000  }
0x10f: {  	_ =	swait.ge [sflag:s13], $0x1000  }
0x110: {  	[sflag:s13] =	ssyncset.done $0x0  }
0x111: {  	[sflag:s13] =	ssyncadd.s32 $0xFFFFF000  }
0x112: {  	_ =	swait.ge [sflag:s13], $0x1000  }
0x113: {  	[sflag:s13] =	ssyncset.done $0x0  }
0x114: {  	[sflag:s13] =	ssyncadd.s32 $0xFFFFF000  }
0x115: {  	_ =	swait.ge [sflag:s13], $0x1000  }
0x116: {  	[sflag:s13] =	ssyncset.done $0x0  }
0x117: {  	s21 =	simm.s32 $0x0;
	[sflag:s13] =	ssyncadd.s32 $0xFFFFF000  }
0x118: {  	v2 =	vld [tilespmem:s21+$0xB070]  }
0x119: {  	v3 =	vld [tilespmem:s21+$0x7070]  }
0x11a: {  	v4 =	vld [tilespmem:s21+$0xB060]  }
0x11b: {  	v5 =	vld [tilespmem:s21+$0x7060]  }
0x11c: {  	v6 =	vld [tilespmem:s21+$0x9070]  }
0x11d: {  	v7 =	vld [tilespmem:s21+$0xB050]  }
0x11e: {  	v8 =	vld [tilespmem:s21+$0x7050]  }
0x11f: {  	v9 =	vld [tilespmem:s21+$0x9060]  }
0x120: {  	v10 =	vld [tilespmem:s21+$0xD070]  }
0x121: {  	v11 =	vld [tilespmem:s21+$0xB040]  }
0x122: {  	v12 =	vld [tilespmem:s21+$0x7040]  }
0x123: {  	v13 =	vld [tilespmem:s21+$0x9050]  }
0x124: {  	v14 =	vld [tilespmem:s21+$0xD060]  }
0x125: {  	v15 =	vld [tilespmem:s21+$0xA070]  }
0x126: {  	v16 =	vld [tilespmem:s21+$0xB030]  }
0x127: {  	v17 =	vld [tilespmem:s21+$0x7030]  }
0x128: {  	v18 =	vld [tilespmem:s21+$0x9040]  }
0x129: {  	v19 =	vld [tilespmem:s21+$0xD050]  }
0x12a: {  	v20 =	vld [tilespmem:s21+$0xA060]  }
0x12b: {  	v22 =	vld [tilespmem:s21+$0xB020]  }
0x12c: {  	v23 =	vld [tilespmem:s21+$0x7020]  }
0x12d: {  	v24 =	vld [tilespmem:s21+$0x9030]  }
0x12e: {  	v25 =	vld [tilespmem:s21+$0xD040]  }
0x12f: {  	v26 =	vld [tilespmem:s21+$0xA050]  }
0x130: {  	v27 =	vld [tilespmem:s21+$0x8070]  }
0x131: {  	v28 =	vld [tilespmem:s21+$0xB000]  }
0x132: {  	v29 =	vld [tilespmem:s21+$0x7000]  }
0x133: {  	v30 =	vld [tilespmem:s21+$0x9020]  }
0x134: {  	v31 =	vld [tilespmem:s21+$0xD030]  }
0x135: {  	v32 =	vld [tilespmem:s21+$0x8060]  }
0x136: {  	v33 =	vld [tilespmem:s21+$0xA040]  }
0x137: {  	v34 =	vld [tilespmem:s21+$0xD020]  }
0x138: {  	v35 =	vld [tilespmem:s21+$0x8050]  }
0x139: {  	v36 =	vld [tilespmem:s21+$0xA030]  }
0x13a: {  	v37 =	vld [tilespmem:s21+$0x8040]  }
0x13b: {  	v38 =	vld [tilespmem:s21+$0xA020]  }
0x13c: {  	v39 =	vld [tilespmem:s21+$0x8030]  }
0x13d: {  	v44 =	vld [tilespmem:s21+$0xA000];
	v15 =	vsub.f32 v27, v15  }
0x13e: {  	v47 =	vld [tilespmem:s21+$0x8020];
	v20 =	vsub.f32 v32, v20  }
0x13f: {  	v46 =	vld [tilespmem:s21+$0xA010];
	v45 =	vsub.f32 v35, v26;
	v10 =	vmul.f32 v10, v15  }
0x140: {  	v49 =	vld [tilespmem:s21+$0x8000];
	vm0 =	vge.f32 v27, v2;
	v2 =	vsub.f32 v37, v33;
	v14 =	vmul.f32 v14, v20  }
0x141: {  	v50 =	vld [tilespmem:s21+$0xD000];
	vm2 =	vge.f32 v32, v4;
	v4 =	vsub.f32 v39, v36;
	v6 =	vadd.f32 v10, v6  }
0x142: {  	v51 =	vld [tilespmem:s21+$0xD010];
	vm4 =	vge.f32 v35, v7;
	v48 =	vmul.f32 v19, v45;
	v9 =	vadd.f32 v14, v9  }
0x143: {  	v53 =	vsub.f32 v47, v38;
	v2 =	vmul.f32 v25, v2;
	vm1 =	vge.f32 v6, v3;
	v3 =	vld [tilespmem:s21+$0x8010]  }
0x144: {  	v52 =	vld [tilespmem:s21+$0x9010];
	v4 =	vmul.f32 v31, v4;
	vm3 =	vge.f32 v9, v5;
	v5 =	vadd.f32 v48, v13  }
0x145: {  	v55 =	vld [tilespmem:s21+$0xB010];
	vm12 =	vge.f32 v37, v11;
	v54 =	vsub.f32 v49, v44;
	v2 =	vadd.f32 v2, v18  }
0x146: {  	vm14 =	vge.f32 v39, v16;
	v4 =	vadd.f32 v4, v24;
	vm11 =	vge.f32 v5, v8;
	v5 =	vld [tilespmem:s21+$0x9000]  }
0x147: {  	v57 =	vld [tilespmem:s21+$0xC010];
	vm15 =	vge.f32 v47, v22;
	vm13 =	vge.f32 v2, v12;
	v9 =	vmul.f32 v34, v53  }
0x148: {  	v58 =	vld [tilespmem:s21+$0xC030];
	v6 =	vmul.f32 v50, v54;
	vm5 =	vge.f32 v4, v17;
	v56 =	vsub.f32 v3, v46  }
0x149: {  	v2 =	vld [tilespmem:s21+$0x7010];
	vm0 =	vmand vm0, vm1;
	vm1 =	vmand vm2, vm3;
	v4 =	vadd.f32 v9, v30  }
0x14a: {  	v21 =	vld [tilespmem:s21+$0xC000];
	vm3 =	vmand vm12, vm13;
	vm2 =	vmand vm4, vm11;
	v7 =	vmul.f32 v51, v56  }
0x14b: {  	v59 =	vld [tilespmem:s21+$0xC020];
	vm4 =	vmand vm14, vm5;
	vm12 =	vge.f32 v4, v23;
	v5 =	vadd.f32 v6, v5  }
0x14c: {  	vm9 =	vge.f32 v3, v55;
	vm13 =	vlt.f32 v3, v57;
	v3 =	vld [tilespmem:s21+$0xC060];
	v7 =	vadd.f32 v7, v52  }
0x14d: {  	vm5 =	vmand vm15, vm12;
	vm15 =	vlt.f32 v39, v58;
	vm8 =	vge.f32 v5, v29;
	v5 =	vld [tilespmem:s21+$0xC040]  }
0x14e: {  	vm6 =	vge.f32 v49, v28;
	vm4 =	vmand vm4, vm15;
	vm10 =	vge.f32 v7, v2;
	v2 =	vld [tilespmem:s21+$0xC050]  }
0x14f: {  	vm7 =	vlt.f32 v49, v21;
	v63 =	vsel vm4, $0x1, v0;
	vm6 =	vmand vm6, vm8  }
0x150: {  	vm6 =	vmand vm6, vm7;
	vm9 =	vmand vm9, vm10;
	vm10 =	vlt.f32 v47, v59  }
0x151: {  	v61 =	vld [tilespmem:s21+$0xC070];
	v4 =	vsel vm6, $0x1, v0;
	vm14 =	vmand vm9, vm13;
	vm5 =	vmand vm5, vm10  }
0x152: {  	vm13 =	vlt.f32 v32, v3;
	v60 =	vsel vm14, $0x1, v0;
	v62 =	vsel vm5, $0x1, v0  }
0x153: {  	vm11 =	vlt.f32 v37, v5;
	vm12 =	vlt.f32 v35, v2;
	v2 =	vadd.s32 v4, v60  }
0x154: {  	vm1 =	vmand vm1, vm13;
	vm3 =	vmand vm3, vm11;
	v2 =	vadd.s32 v62, v2  }
0x155: {  	v4 =	vsel vm3, $0x1, v0;
	vm2 =	vmand vm2, vm12;
	v2 =	vadd.s32 v63, v2  }
0x156: {  	vm14 =	vlt.f32 v27, v61;
	v5 =	vsel vm2, $0x1, v0;
	v2 =	vadd.s32 v4, v2  }
0x157: {  	v3 =	vsel vm1, $0x1, v0;
	vm0 =	vmand vm0, vm14;
	v2 =	vadd.s32 v5, v2  }
0x158: {  	v2 =	vadd.s32 v3, v2;
	v3 =	vsel vm0, $0x1, v0  }
0x159: {  	v2 =	vadd.s32 v3, v2  }
0x15a: {  	(xrf0) =	vadd.scan.msk.s32 $0xffff, v2;
	_ =	sdelay $0x5  }
0x15b: {  	v2, _, _ =	vpop (xrf0)  }
0x15c: {  	(v2sf) =	vpush v2, $0xF;
	_ =	sdelay $0xd  }
0x15d: {  	s19 =	simm.s32 $0x0  }
0x15e: {  	s20 =	sand.u32 $0xF, s19;
	s22 =	spop (v2sf)  }
0x15f: {  	s21 =	simm.s32 $0x1;
	v2 =	vmov s20;
	p1 =	seq.s32 s22, $0x1  }
0x160: {  	s17 =	sadd.s32 $0xE020, s17;
	v3 =	vimm.s32 $0x0;
	vm15 =	veq.s32 v2, v1;
	s21 =	simm.s32 @!p1 $0x0  }
0x161: {  	v2 =	vsel vm15, s21, v3;
	v3 =	vmov s17;
	_ =	sdelay $0x2  }
0x162: {  	p2 =	sne.s32 s20, $0xF  }
0x163: {  	s17 =	simm.s32 $0x200;
	s21 =	sand.u32 @!p2 $0x10, s19  }
.LBB2_5:
0x164: {  	s20 =	sshra.s32 s17, $0x2;
	[tilespmem:v3+s21+$0x0 ss:$0x1] =	vst.idx.msk @!p2 $0xffff, v2  }
0x165: {  	v4 =	vld [tilespmem:s20+$0xC070]  }
0x166: {  	v5 =	vld [tilespmem:s20+$0xC060]  }
0x167: {  	v6 =	vld [tilespmem:s20+$0xB070]  }
0x168: {  	v7 =	vld [tilespmem:s20+$0x7070]  }
0x169: {  	v8 =	vld [tilespmem:s20+$0xC050]  }
0x16a: {  	v9 =	vld [tilespmem:s20+$0xB060]  }
0x16b: {  	v10 =	vld [tilespmem:s20+$0x7060]  }
0x16c: {  	v11 =	vld [tilespmem:s20+$0x9070]  }
0x16d: {  	v12 =	vld [tilespmem:s20+$0xC040]  }
0x16e: {  	v13 =	vld [tilespmem:s20+$0xB050]  }
0x16f: {  	v14 =	vld [tilespmem:s20+$0x7050]  }
0x170: {  	v15 =	vld [tilespmem:s20+$0x9060]  }
0x171: {  	v16 =	vld [tilespmem:s20+$0xD070]  }
0x172: {  	v17 =	vld [tilespmem:s20+$0xC030]  }
0x173: {  	v18 =	vld [tilespmem:s20+$0xB040]  }
0x174: {  	v19 =	vld [tilespmem:s20+$0x7040]  }
0x175: {  	v20 =	vld [tilespmem:s20+$0x9050]  }
0x176: {  	v21 =	vld [tilespmem:s20+$0xD060]  }
0x177: {  	v22 =	vld [tilespmem:s20+$0xA070]  }
0x178: {  	v23 =	vld [tilespmem:s20+$0xC020]  }
0x179: {  	v24 =	vld [tilespmem:s20+$0xB030]  }
0x17a: {  	v25 =	vld [tilespmem:s20+$0x7030]  }
0x17b: {  	v26 =	vld [tilespmem:s20+$0x9040]  }
0x17c: {  	v27 =	vld [tilespmem:s20+$0xD050]  }
0x17d: {  	v28 =	vld [tilespmem:s20+$0xA060]  }
0x17e: {  	v29 =	vld [tilespmem:s20+$0xC000]  }
0x17f: {  	v30 =	vld [tilespmem:s20+$0xB020]  }
0x180: {  	v31 =	vld [tilespmem:s20+$0x7020]  }
0x181: {  	v32 =	vld [tilespmem:s20+$0x9030]  }
0x182: {  	v33 =	vld [tilespmem:s20+$0xD040]  }
0x183: {  	v34 =	vld [tilespmem:s20+$0xA050]  }
0x184: {  	v35 =	vld [tilespmem:s20+$0x8070]  }
0x185: {  	v36 =	vld [tilespmem:s20+$0xB000]  }
0x186: {  	v37 =	vld [tilespmem:s20+$0x7000]  }
0x187: {  	v40 =	vld [tilespmem:s20+$0x8060]  }
0x188: {  	v41 =	vld [tilespmem:s20+$0xA040]  }
0x189: {  	v43 =	vld [tilespmem:s20+$0x8050]  }
0x18a: {  	v44 =	vld [tilespmem:s20+$0xA030]  }
0x18b: {  	v45 =	vld [tilespmem:s20+$0x8040]  }
0x18c: {  	v46 =	vld [tilespmem:s20+$0x8030]  }
0x18d: {  	v63 =	vld [tilespmem:s20+$0xA000];
	v22 =	vsub.f32 v35, v22  }
0x18e: {  	v48 =	vimm.s32 $0x0;
	v49 =	vld [tilespmem:s20+$0x8000];
	v28 =	vsub.f32 v40, v28;
	v34 =	vsub.f32 v43, v34  }
0x18f: {  	v39 =	vld [tilespmem:s20+$0xD030];
	vm0 =	vlt.f32 v35, v4;
	v4 =	vimm.s32 $0x0;
	vm1 =	vge.f32 v35, v6  }
0x190: {  	v38 =	vld [tilespmem:s20+$0x9020];
	v41 =	vsub.f32 v45, v41;
	vm3 =	vge.f32 v40, v9;
	v16 =	vmul.f32 v16, v22  }
0x191: {  	v62 =	vld [tilespmem:s20+$0xA020];
	v50 =	vsub.f32 v46, v44;
	vm7 =	vge.f32 v43, v13;
	vm4 =	vlt.f32 v43, v8  }
0x192: {  	v35 =	vld [tilespmem:s20+$0x8020];
	vm8 =	vge.f32 v45, v18;
	vm6 =	vlt.f32 v45, v12;
	v11 =	vadd.f32 v16, v11  }
0x193: {  	v42 =	vld [tilespmem:s20+$0xD020];
	v57 =	vsub.f32 v49, v63;
	vm9 =	vge.f32 v46, v24;
	v4 =	vsel vm0, $0xFFFFFFFF, v4  }
0x194: {  	v21 =	vmul.f32 v21, v28;
	[tilespmem:$0x1FFC0] =	vst v4;
	v4 =	vld [tilespmem:s20+$0xA010];
	v9 =	vmul.f32 v39, v50;
	vm2 =	vge.f32 v11, v7  }
0x195: {  	v47 =	vmul.f32 v27, v34;
	vm15 =	vmand vm1, vm2;
	vm2 =	vlt.f32 v40, v5;
	v5 =	vld [tilespmem:s20+$0x8010]  }
0x196: {  	v52 =	vld [tilespmem:s20+$0xD000];
	vm13 =	vlt.f32 v49, v29;
	v15 =	vadd.f32 v21, v15;
	v9 =	vadd.f32 v9, v32  }
0x197: {  	v53 =	vld [tilespmem:s20+$0xD010];
	v51 =	vadd.f32 v47, v20;
	v56 =	vsub.f32 v35, v62;
	vm11 =	vlt.f32 v35, v23  }
0x198: {  	v54 =	vld [tilespmem:s20+$0x9000];
	vm5 =	vge.f32 v15, v10;
	v7 =	vmul.f32 v33, v41;
	vm10 =	vge.f32 v9, v25  }
0x199: {  	v55 =	vld [tilespmem:s20+$0x9010];
	vm3 =	vmand vm3, vm5;
	vm1 =	vge.f32 v51, v14;
	v13 =	vmul.f32 v42, v56  }
0x19a: {  	v58 =	vld [tilespmem:s20+$0xB010];
	vm9 =	vmand vm9, vm10;
	v7 =	vadd.f32 v7, v26;
	v4 =	vsub.f32 v5, v4  }
0x19b: {  	v59 =	vld [tilespmem:s20+$0x7010];
	vm10 =	vge.f32 v35, v30;
	v21 =	vsel vm15, $0xFFFFFFFF, v48;
	v61 =	vadd.f32 v13, v38  }
0x19c: {  	v60 =	vld [tilespmem:s20+$0xC010];
	[tilespmem:$0x1FFD0] =	vst v21;
	vm12 =	vge.f32 v7, v19;
	v7 =	vmul.f32 v52, v57;
	v4 =	vmul.f32 v53, v4  }
0x19d: {  	vm5 =	vmand vm7, vm1;
	v63 =	vld [tilespmem:$0x1FFD0];
	vm7 =	vmand vm8, vm12;
	vm8 =	vlt.f32 v46, v17  }
0x19e: {  	vm14 =	vge.f32 v61, v31;
	v7 =	vadd.f32 v7, v54;
	v4 =	vadd.f32 v4, v55  }
0x19f: {  	vm12 =	vge.f32 v49, v36;
	vm1 =	vge.f32 v5, v58;
	vm10 =	vmand vm10, vm14  }
0x1a0: {  	vm9 =	vmand vm9, vm8;
	vm15 =	vge.f32 v7, v37;
	vm0 =	vge.f32 v4, v59  }
0x1a1: {  	vm12 =	vmand vm12, vm15;
	vm15 =	vlt.f32 v5, v60;
	vm0 =	vmand vm1, vm0  }
0x1a2: {  	v62 =	vld [tilespmem:$0x1FFC0];
	vm14 =	vnez.u8 v63;
	vm13 =	vmand vm12, vm13;
	vm0 =	vmand vm0, vm15  }
0x1a3: {  	v4 =	vsel vm13, $0x1, v0;
	vm15 =	vmand vm10, vm11;
	v5 =	vsel vm0, $0x1, v0  }
0x1a4: {  	vm12 =	vmand vm3, vm2;
	v4 =	vadd.s32 v4, v5;
	v5 =	vsel vm15, $0x1, v0  }
0x1a5: {  	vm10 =	vmand vm7, vm6;
	v4 =	vadd.s32 v5, v4;
	v5 =	vsel vm9, $0x1, v0  }
0x1a6: {  	vm11 =	vmand vm5, vm4;
	v4 =	vadd.s32 v5, v4;
	v5 =	vsel vm10, $0x1, v0  }
0x1a7: {  	vm13 =	vnez.u8 v62;
	v4 =	vadd.s32 v5, v4;
	v5 =	vsel vm11, $0x1, v0  }
0x1a8: {  	vm0 =	vmand vm14, vm13;
	v4 =	vadd.s32 v5, v4;
	v5 =	vsel vm12, $0x1, v0  }
0x1a9: {  	v4 =	vadd.s32 v5, v4;
	v5 =	vsel vm0, $0x1, v0  }
0x1aa: {  	v4 =	vadd.s32 v5, v4  }
0x1ab: {  	(xrf0) =	vadd.scan.msk.s32 $0xffff, v4;
	_ =	sdelay $0x5  }
0x1ac: {  	v4, _, _ =	vpop (xrf0)  }
0x1ad: {  	(v2sf) =	vpush v4, $0xF;
	_ =	sdelay $0xb  }
0x1ae: {  	s17 =	sadd.s32 $0x200, s17  }
0x1af: {  	p1 =	sne.s32 s17, $0x4000  }
.Ltmp3:
0x1b0: {  	s19 =	sadd.s32 $0x1, s19;
	(pc) =	sbr.rel @p1 .LBB2_5-.Ltmp3, $4  }
0x1b1: {  	s20 =	sand.u32 $0xF, s19;
	s22 =	spop (v2sf)  }
0x1b2: {  	s21 =	simm.s32 $0x1;
	v4 =	vmov s20;
	p2 =	seq.s32 s22, $0x1  }
0x1b3: {  	vm15 =	veq.s32 v4, v1;
	s21 =	simm.s32 @!p2 $0x0;
	p2 =	sne.s32 s20, $0xF  }
0x1b4: {  	v2 =	vsel vm15, s21, v2;
	s21 =	sand.u32 @!p2 $0x10, s19  }
.Ltmp4:
0x1b5: {  	_ = 	snop;
	(pc) =	sbr.rel @p0 .LBB2_8-.Ltmp4, $2  }
0x1b6: {  	_ =	sdelay $0x2  }
0x1b7: {  	[tilespmem:v3+s21+$0x0 ss:$0x1] =	vst.idx.msk @!p2 $0xffff, v2  }
0x1b8: {  	s17 =	sadd.s32 s18, s26  }
0x1b9: {  	s17 =	sshrl.u32 s17, $0x3  }
0x1ba: {  	s21 =	sadd.s32 s0, s17  }
0x1bb: {  	[tilespmem:s30], [sflag:$0x2] =	stream.linear.gather [hbm4b:s21+s9], $0x1000, $0x38;
	[tilespmem:$0xE100] =	vst v63  }
0x1bc: {  	s22 =	sadd.s32 s1, s17  }
0x1bd: {  	[tilespmem:s31], [sflag:$0x2] =	stream.linear.gather [hbm4b:s22+s9], $0x1000, $0x38;
	[tilespmem:$0xE100] =	vst v63  }
0x1be: {  	s19 =	sadd.s32 s2, s17  }
0x1bf: {  	[tilespmem:s3], [sflag:$0x2] =	stream.linear.gather [hbm4b:s19+s9], $0x1000, $0x38;
	[tilespmem:$0xE100] =	vst v63  }
0x1c0: {  	s20 =	sadd.s32 s4, s17  }
0x1c1: {  	[tilespmem:s7], [sflag:$0x2] =	stream.linear.gather [hbm4b:s20+s9], $0x1000, $0x38;
	[tilespmem:$0xE100] =	vst v63  }
0x1c2: {  	s21 =	sadd.s32 s5, s17  }
0x1c3: {  	[tilespmem:s29], [sflag:$0x2] =	stream.linear.gather [hbm4b:s21+s9], $0x1000, $0x38;
	[tilespmem:$0xE100] =	vst v63  }
.Ltmp5:
0x1c4: {  	_ = 	snop;
	(pc) =	sbr.rel .LBB2_2-.Ltmp5, $4  }
0x1c5: {  	s22 =	sadd.s32 s6, s17  }
0x1c6: {  	[tilespmem:s10], [sflag:$0x2] =	stream.linear.gather [hbm4b:s22+s9], $0x1000, $0x38;
	[tilespmem:$0xE100] =	vst v63  }
0x1c7: {  	s16 =	sadd.s32 $0x1, s16;
	s17 =	sadd.s32 s8, s17  }
0x1c8: {  	[tilespmem:s11], [sflag:$0x2] =	stream.linear.gather [hbm4b:s17+s9], $0x1000, $0x38;
	[tilespmem:$0xE100] =	vst v63  }
.LBB2_9:
0x1c9: {  	_ =	sfence.sel $0x180000  }
0x1ca: {  	[bflag:$0x0] =	sbarrier.arrive $0xFFFF  }
0x1cb: {  	_ =	strace $0x90000047  }
0x1cc: {  	s0 =	stileid.u32;
	[bflag:$0x2] =	sbarrier.arrive $0xFFFF  }
0x1cd: {  	p0 =	sne.s32 s0, $0x0;
	s0 =	rddreg [dreg:$0x8]  }
0x1ce: {  	s0 =	sadd.s32 @!p0 $0x100000, s0  }
0x1cf: {  	[sflag:s0] =	ssyncadd.tile.s32 @!p0 $0x1;
	_ =	shalt  }
.Lfunc_end2:
_tile_overlayer_lowered:
.L_overlay_start_2:
0x1d0: {  	(tag) =	ssettag $0x2  }
0x1d1: {  	s0 =	rddreg [dreg:$0x0];
	s2 =	stileid.u32  }
0x1d2: {  	s1 =	rddreg [dreg:$0x1];
	p0 =	sne.s32 s2, $0x0  }
0x1d3: {  	s3 =	rddreg [dreg:$0x2];
	[bflag:$0x3] =	sbarrier.arrive $0xFFFF;
	s2 =	simm.s32 @!p0 $0x1C03  }
0x1d4: {  	[timem:s3], [sflag:s2] =	dma.local @!p0 [hbm:s0], s1  }
0x1d5: {  	s0 =	simm.s32 @!p0 $0x3  }
0x1d6: {  	_ =	swait.ge @!p0 [sflag:s0], s1  }
0x1d7: {  	s1 =	ssub.s32 @!p0 $0x0, s1;
	[sflag:s0] =	ssyncset.done @!p0 $0x0  }
0x1d8: {  	[sflag:s0] =	ssyncadd.s32 @!p0 s1  }
0x1d9: {  	[bflag:$0x3] =	sbarrier.arrive $0xFFFF  }
0x1da: {  	_ =	shalt  }

</sc_bundles>
